<compile_context>
chip_gen: v7x
topology: tpu7x:2x2x1
jax: 0.10.2.dev20260603
libtpu: 0.0.44.dev20260713+nightly
codegen_flags: <defaults>
</compile_context>

<pallas_src>
import functools

import jax
import jax.numpy as jnp
from jax import lax
from jax.experimental import pallas as pl
from jax.experimental.pallas import tpu as pltpu
from jax.experimental.pallas import tpu_sc as plsc

_BATCH = 16384
_LATENT = 64
_CHUNK = 128


def kernel(users, movies, U, M, bu, bm, b0):
    info = plsc.get_sparse_core_info()
    nc, ns, nl = info.num_cores, info.num_subcores, info.num_lanes
    nw = nc * ns
    bpw = _BATCH // nw
    nchunk = bpw // _CHUNK

    mesh = plsc.VectorSubcoreMesh(core_axis_name="c", subcore_axis_name="s")
    b0v = jnp.broadcast_to(b0.astype(jnp.float32), (nl,))

    @functools.partial(
        pl.kernel,
        mesh=mesh,
        compiler_params=pltpu.CompilerParams(use_tc_tiling_on_sc=False),
        out_type=jax.ShapeDtypeStruct((_BATCH,), jnp.float32),
        scratch_types=[
            pltpu.VMEM((bpw,), jnp.int32),
            pltpu.VMEM((bpw,), jnp.int32),
            pltpu.VMEM((bpw, _LATENT), jnp.float32),
            pltpu.VMEM((bpw, _LATENT), jnp.float32),
            pltpu.VMEM((bpw,), jnp.float32),
            pltpu.VMEM((bpw,), jnp.float32),
            pltpu.VMEM((nl,), jnp.float32),
            pltpu.VMEM((bpw,), jnp.float32),
            pltpu.SemaphoreType.DMA,
        ],
    )
    def run(users_h, movies_h, U_h, M_h, bu_h, bm_h, b0_h, out_h,
            uidx, midx, urows, mrows, ubias, mbias, b0s, outv, sem):
        wid = lax.axis_index("s") * nc + lax.axis_index("c")
        base = wid * bpw

        pltpu.sync_copy(users_h.at[pl.ds(base, bpw)], uidx)
        pltpu.sync_copy(movies_h.at[pl.ds(base, bpw)], midx)
        pltpu.sync_copy(b0_h, b0s)

        copies = []
        for i in range(nchunk):
            sl = pl.ds(i * _CHUNK, _CHUNK)
            copies.append(pltpu.async_copy(U_h.at[uidx.at[sl]], urows.at[sl], sem))
            copies.append(pltpu.async_copy(M_h.at[midx.at[sl]], mrows.at[sl], sem))
            copies.append(pltpu.async_copy(bu_h.at[uidx.at[sl]], ubias.at[sl], sem))
            copies.append(pltpu.async_copy(bm_h.at[midx.at[sl]], mbias.at[sl], sem))
        for c in copies:
            c.wait()

        b0vec = b0s[...]
        even = jnp.arange(0, 2 * nl, 2, jnp.int32) % nl
        odd = even + 1
        lane_lo = lax.broadcasted_iota(jnp.int32, (nl,), 0) < (nl // 2)

        def shuf(a, idx):
            return a.at[idx].get(mode="promise_in_bounds")

        def hadd(a, b):
            ha = shuf(a, even) + shuf(a, odd)
            hb = shuf(b, even) + shuf(b, odd)
            return jnp.where(lane_lo, ha, hb)

        def group(g, carry):
            gbase = g * nl
            vecs = []
            for jj in range(nl):
                p = gbase + jj
                acc = urows[p, pl.ds(0, nl)] * mrows[p, pl.ds(0, nl)]
                for k in range(1, _LATENT // nl):
                    acc = acc + (urows[p, pl.ds(k * nl, nl)]
                                 * mrows[p, pl.ds(k * nl, nl)])
                vecs.append(acc)
            while len(vecs) > 1:
                vecs = [hadd(vecs[t], vecs[t + 1]) for t in range(0, len(vecs), 2)]
            sl = pl.ds(gbase, nl)
            r = vecs[0] + ubias[sl] + mbias[sl] + b0vec
            outv[sl] = 5.0 / (1.0 + jnp.exp(-r))
            return carry

        lax.fori_loop(0, bpw // nl, group, 0)
        pltpu.sync_copy(outv, out_h.at[pl.ds(base, bpw)])

    return run(users.astype(jnp.int32), movies.astype(jnp.int32),
               U, M, bu, bm, b0v)

# --- scband reference (transcript-rebuilt; emitter-appended) ---
"""Pipeline reference for scband-recommender-41180146434353 (READ-ONLY COPY).

The authoritative reference and input builder live on the scoring server;
editing this copy changes nothing except your own understanding.
"""

import jax, jax.numpy as jnp
import numpy as np

USERS = 1000000
MOVIES = 100000
LATENT = 64
BATCH = 16384

def setup_inputs(seed: int = 0) -> dict:
    key = jax.random.key(seed)
    k1, k2, k3, k4, k5, k6, k7 = jax.random.split(key, 7)
    users = jax.random.randint(k1, (BATCH,), 0, USERS, dtype=jnp.int64 if jax.config.jax_enable_x64 else jnp.int32)
    movies = jax.random.randint(k2, (BATCH,), 0, MOVIES, dtype=jnp.int64 if jax.config.jax_enable_x64 else jnp.int32)
    U = jax.random.normal(k3, (USERS, LATENT), dtype=jnp.float32) * 0.05
    M = jax.random.normal(k4, (MOVIES, LATENT), dtype=jnp.float32) * 0.05
    bu = jax.random.normal(k5, (USERS,), dtype=jnp.float32) * 0.01
    bm = jax.random.normal(k6, (MOVIES,), dtype=jnp.float32) * 0.01
    b0 = jax.random.normal(k7, (), dtype=jnp.float32) * 0.01
    return {"users": users, "movies": movies, "U": U, "M": M, "bu": bu, "bm": bm, "b0": b0}

def reference(users, movies, U, M, bu, bm, b0):
    # SVD rating matrix: dot product of user/movie latent factors (gather -> elementwise -> reduce)
    u_vec = jnp.take(U, users, axis=0)   # [B, d]
    m_vec = jnp.take(M, movies, axis=0)  # [B, d]
    r = jnp.sum(u_vec * m_vec, axis=-1)  # [B]
    # Bias layer: per-user bias + per-movie bias + global bias
    b = jnp.take(bu, users, axis=0) + jnp.take(bm, movies, axis=0) + b0
    r = r + b
    r = jax.nn.sigmoid(r)
    return 5.0 * r

if __name__ == "__main__":
    import jax
    _d = setup_inputs()
    print(jax.jit(kernel)(*tuple(_d.values())))

</pallas_src>

<mosaic_0001>
#map = affine_map<(d0, d1) -> (0)>
#map1 = affine_map<(d0, d1) -> (0, 0)>
module attributes {stable_mosaic.version = 14 : i64} {
  func.func @run(%arg0: i32, %arg1: i32, %arg2: memref<16384xi32, #tpu.memory_space<hbm>>, %arg3: memref<16384xi32, #tpu.memory_space<hbm>>, %arg4: memref<1000000x64xf32, #tpu.memory_space<hbm>>, %arg5: memref<100000x64xf32, #tpu.memory_space<hbm>>, %arg6: memref<1000000xf32, #tpu.memory_space<hbm>>, %arg7: memref<100000xf32, #tpu.memory_space<hbm>>, %arg8: memref<16xf32, #tpu.memory_space<hbm>>, %arg9: memref<16384xf32, #tpu.memory_space<hbm>>, %arg10: memref<512xi32, #tpu.memory_space<vmem>>, %arg11: memref<512xi32, #tpu.memory_space<vmem>>, %arg12: memref<512x64xf32, #tpu.memory_space<vmem>>, %arg13: memref<512x64xf32, #tpu.memory_space<vmem>>, %arg14: memref<512xf32, #tpu.memory_space<vmem>>, %arg15: memref<512xf32, #tpu.memory_space<vmem>>, %arg16: memref<16xf32, #tpu.memory_space<vmem>>, %arg17: memref<512xf32, #tpu.memory_space<vmem>>, %arg18: memref<!tpu.dma_semaphore, #tpu.memory_space<semaphore_mem>>) attributes {dimension_semantics = [#tpu.dimension_semantics<core_parallel>, #tpu.dimension_semantics<subcore_parallel>], iteration_bounds = array<i64: 2, 16>, scalar_prefetch = 0 : i64, scratch_operands = 9 : i64, tpu.core_type = #tpu.core_type<sc_vector_subcore>, window_params = [{transform_indices = #map}, {transform_indices = #map}, {transform_indices = #map1}, {transform_indices = #map1}, {transform_indices = #map}, {transform_indices = #map}, {transform_indices = #map}, {transform_indices = #map}]} {
    %mul3A = arith.constant 2 : i32
    %mul3A_0 = arith.muli %arg1, %mul3A : i32
    %add3A = arith.addi %mul3A_0, %arg0 : i32
    %mul3A_1 = arith.constant 512 : i32
    %mul3A_2 = arith.muli %add3A, %mul3A_1 : i32
    "tpu.region"() ({
      %run_scoped3A = tpu.sem_alloc : memref<!tpu.dma_semaphore, #tpu.memory_space<semaphore_mem>>
      %dma_start3A_260 = tpu.memref_slice %arg2[%mul3A_2] : memref<16384xi32, #tpu.memory_space<hbm>> -> memref<512xi32, #tpu.memory_space<hbm>>
      %dma_start3A_261 = tpu.memref_slice %arg2[%mul3A_2] : memref<16384xi32, #tpu.memory_space<hbm>> -> memref<512xi32, #tpu.memory_space<hbm>>
      tpu.enqueue_dma source(%dma_start3A_261 : memref<512xi32, #tpu.memory_space<hbm>>) target(%arg10 : memref<512xi32, #tpu.memory_space<vmem>>) target_semaphore(%run_scoped3A : memref<!tpu.dma_semaphore, #tpu.memory_space<semaphore_mem>>)
      %dma_wait3A_262 = tpu.memref_slice %arg2[%mul3A_2] : memref<16384xi32, #tpu.memory_space<hbm>> -> memref<512xi32, #tpu.memory_space<hbm>>
      %dma_wait3A_263 = tpu.memref_slice %arg2[%mul3A_2] : memref<16384xi32, #tpu.memory_space<hbm>> -> memref<512xi32, #tpu.memory_space<hbm>>
      tpu.wait_dma2 semaphore(%run_scoped3A : memref<!tpu.dma_semaphore, #tpu.memory_space<semaphore_mem>>) src(%dma_wait3A_263 : memref<512xi32, #tpu.memory_space<hbm>>) dst(%arg10 : memref<512xi32, #tpu.memory_space<vmem>>)
      tpu.yield
    }) : () -> ()
    "tpu.region"() ({
      %run_scoped3A = tpu.sem_alloc : memref<!tpu.dma_semaphore, #tpu.memory_space<semaphore_mem>>
      %dma_start3A_260 = tpu.memref_slice %arg3[%mul3A_2] : memref<16384xi32, #tpu.memory_space<hbm>> -> memref<512xi32, #tpu.memory_space<hbm>>
      %dma_start3A_261 = tpu.memref_slice %arg3[%mul3A_2] : memref<16384xi32, #tpu.memory_space<hbm>> -> memref<512xi32, #tpu.memory_space<hbm>>
      tpu.enqueue_dma source(%dma_start3A_261 : memref<512xi32, #tpu.memory_space<hbm>>) target(%arg11 : memref<512xi32, #tpu.memory_space<vmem>>) target_semaphore(%run_scoped3A : memref<!tpu.dma_semaphore, #tpu.memory_space<semaphore_mem>>)
      %dma_wait3A_262 = tpu.memref_slice %arg3[%mul3A_2] : memref<16384xi32, #tpu.memory_space<hbm>> -> memref<512xi32, #tpu.memory_space<hbm>>
      %dma_wait3A_263 = tpu.memref_slice %arg3[%mul3A_2] : memref<16384xi32, #tpu.memory_space<hbm>> -> memref<512xi32, #tpu.memory_space<hbm>>
      tpu.wait_dma2 semaphore(%run_scoped3A : memref<!tpu.dma_semaphore, #tpu.memory_space<semaphore_mem>>) src(%dma_wait3A_263 : memref<512xi32, #tpu.memory_space<hbm>>) dst(%arg11 : memref<512xi32, #tpu.memory_space<vmem>>)
      tpu.yield
    }) : () -> ()
    "tpu.region"() ({
      %run_scoped3A = tpu.sem_alloc : memref<!tpu.dma_semaphore, #tpu.memory_space<semaphore_mem>>
      tpu.enqueue_dma source(%arg8 : memref<16xf32, #tpu.memory_space<hbm>>) target(%arg16 : memref<16xf32, #tpu.memory_space<vmem>>) target_semaphore(%run_scoped3A : memref<!tpu.dma_semaphore, #tpu.memory_space<semaphore_mem>>)
      tpu.wait_dma2 semaphore(%run_scoped3A : memref<!tpu.dma_semaphore, #tpu.memory_space<semaphore_mem>>) src(%arg8 : memref<16xf32, #tpu.memory_space<hbm>>) dst(%arg16 : memref<16xf32, #tpu.memory_space<vmem>>)
      tpu.yield
    }) : () -> ()
    %dma_start3A = arith.constant 0 : i32
    %dma_start3A_3 = arith.constant 0 : i32
    %dma_start3A_4 = tpu.memref_slice %arg12[%dma_start3A, %dma_start3A_3] : memref<512x64xf32, #tpu.memory_space<vmem>> -> memref<128x64xf32, #tpu.memory_space<vmem>>
    %dma_start3A_5 = arith.constant 0 : i32
    %dma_start3A_6 = tpu.memref_slice %arg10[%dma_start3A_5] : memref<512xi32, #tpu.memory_space<vmem>> -> memref<128xi32, #tpu.memory_space<vmem>>
    %dma_start3A_7 = arith.constant 0 : i32
    %dma_start3A_8 = arith.constant 0 : i32
    %dma_start3A_9 = tpu.memref_slice %arg4[%dma_start3A_7, %dma_start3A_8] : memref<1000000x64xf32, #tpu.memory_space<hbm>> -> memref<1000000x64xf32, #tpu.memory_space<hbm>>
    tpu.enqueue_indirect_dma source(%dma_start3A_9 : memref<1000000x64xf32, #tpu.memory_space<hbm>>) target(%dma_start3A_4 : memref<128x64xf32, #tpu.memory_space<vmem>>) offsets(%dma_start3A_6 : memref<128xi32, #tpu.memory_space<vmem>>) semaphore(%arg18 : memref<!tpu.dma_semaphore, #tpu.memory_space<semaphore_mem>>)
    %dma_start3A_10 = arith.constant 0 : i32
    %dma_start3A_11 = arith.constant 0 : i32
    %dma_start3A_12 = tpu.memref_slice %arg13[%dma_start3A_10, %dma_start3A_11] : memref<512x64xf32, #tpu.memory_space<vmem>> -> memref<128x64xf32, #tpu.memory_space<vmem>>
    %dma_start3A_13 = arith.constant 0 : i32
    %dma_start3A_14 = tpu.memref_slice %arg11[%dma_start3A_13] : memref<512xi32, #tpu.memory_space<vmem>> -> memref<128xi32, #tpu.memory_space<vmem>>
    %dma_start3A_15 = arith.constant 0 : i32
    %dma_start3A_16 = arith.constant 0 : i32
    %dma_start3A_17 = tpu.memref_slice %arg5[%dma_start3A_15, %dma_start3A_16] : memref<100000x64xf32, #tpu.memory_space<hbm>> -> memref<100000x64xf32, #tpu.memory_space<hbm>>
    tpu.enqueue_indirect_dma source(%dma_start3A_17 : memref<100000x64xf32, #tpu.memory_space<hbm>>) target(%dma_start3A_12 : memref<128x64xf32, #tpu.memory_space<vmem>>) offsets(%dma_start3A_14 : memref<128xi32, #tpu.memory_space<vmem>>) semaphore(%arg18 : memref<!tpu.dma_semaphore, #tpu.memory_space<semaphore_mem>>)
    %dma_start3A_18 = arith.constant 0 : i32
    %dma_start3A_19 = tpu.memref_slice %arg14[%dma_start3A_18] : memref<512xf32, #tpu.memory_space<vmem>> -> memref<128xf32, #tpu.memory_space<vmem>>
    %dma_start3A_20 = arith.constant 0 : i32
    %dma_start3A_21 = tpu.memref_slice %arg10[%dma_start3A_20] : memref<512xi32, #tpu.memory_space<vmem>> -> memref<128xi32, #tpu.memory_space<vmem>>
    %dma_start3A_22 = arith.constant 0 : i32
    %dma_start3A_23 = tpu.memref_slice %arg6[%dma_start3A_22] : memref<1000000xf32, #tpu.memory_space<hbm>> -> memref<1000000xf32, #tpu.memory_space<hbm>>
    tpu.enqueue_indirect_dma source(%dma_start3A_23 : memref<1000000xf32, #tpu.memory_space<hbm>>) target(%dma_start3A_19 : memref<128xf32, #tpu.memory_space<vmem>>) offsets(%dma_start3A_21 : memref<128xi32, #tpu.memory_space<vmem>>) semaphore(%arg18 : memref<!tpu.dma_semaphore, #tpu.memory_space<semaphore_mem>>)
    %dma_start3A_24 = arith.constant 0 : i32
    %dma_start3A_25 = tpu.memref_slice %arg15[%dma_start3A_24] : memref<512xf32, #tpu.memory_space<vmem>> -> memref<128xf32, #tpu.memory_space<vmem>>
    %dma_start3A_26 = arith.constant 0 : i32
    %dma_start3A_27 = tpu.memref_slice %arg11[%dma_start3A_26] : memref<512xi32, #tpu.memory_space<vmem>> -> memref<128xi32, #tpu.memory_space<vmem>>
    %dma_start3A_28 = arith.constant 0 : i32
    %dma_start3A_29 = tpu.memref_slice %arg7[%dma_start3A_28] : memref<100000xf32, #tpu.memory_space<hbm>> -> memref<100000xf32, #tpu.memory_space<hbm>>
    tpu.enqueue_indirect_dma source(%dma_start3A_29 : memref<100000xf32, #tpu.memory_space<hbm>>) target(%dma_start3A_25 : memref<128xf32, #tpu.memory_space<vmem>>) offsets(%dma_start3A_27 : memref<128xi32, #tpu.memory_space<vmem>>) semaphore(%arg18 : memref<!tpu.dma_semaphore, #tpu.memory_space<semaphore_mem>>)
    %dma_start3A_30 = arith.constant 128 : i32
    %dma_start3A_31 = arith.constant 0 : i32
    %dma_start3A_32 = tpu.memref_slice %arg12[%dma_start3A_30, %dma_start3A_31] : memref<512x64xf32, #tpu.memory_space<vmem>> -> memref<128x64xf32, #tpu.memory_space<vmem>>
    %dma_start3A_33 = arith.constant 128 : i32
    %dma_start3A_34 = tpu.memref_slice %arg10[%dma_start3A_33] : memref<512xi32, #tpu.memory_space<vmem>> -> memref<128xi32, #tpu.memory_space<vmem>>
    %dma_start3A_35 = arith.constant 0 : i32
    %dma_start3A_36 = arith.constant 0 : i32
    %dma_start3A_37 = tpu.memref_slice %arg4[%dma_start3A_35, %dma_start3A_36] : memref<1000000x64xf32, #tpu.memory_space<hbm>> -> memref<1000000x64xf32, #tpu.memory_space<hbm>>
    tpu.enqueue_indirect_dma source(%dma_start3A_37 : memref<1000000x64xf32, #tpu.memory_space<hbm>>) target(%dma_start3A_32 : memref<128x64xf32, #tpu.memory_space<vmem>>) offsets(%dma_start3A_34 : memref<128xi32, #tpu.memory_space<vmem>>) semaphore(%arg18 : memref<!tpu.dma_semaphore, #tpu.memory_space<semaphore_mem>>)
    %dma_start3A_38 = arith.constant 128 : i32
    %dma_start3A_39 = arith.constant 0 : i32
    %dma_start3A_40 = tpu.memref_slice %arg13[%dma_start3A_38, %dma_start3A_39] : memref<512x64xf32, #tpu.memory_space<vmem>> -> memref<128x64xf32, #tpu.memory_space<vmem>>
    %dma_start3A_41 = arith.constant 128 : i32
    %dma_start3A_42 = tpu.memref_slice %arg11[%dma_start3A_41] : memref<512xi32, #tpu.memory_space<vmem>> -> memref<128xi32, #tpu.memory_space<vmem>>
    %dma_start3A_43 = arith.constant 0 : i32
    %dma_start3A_44 = arith.constant 0 : i32
    %dma_start3A_45 = tpu.memref_slice %arg5[%dma_start3A_43, %dma_start3A_44] : memref<100000x64xf32, #tpu.memory_space<hbm>> -> memref<100000x64xf32, #tpu.memory_space<hbm>>
    tpu.enqueue_indirect_dma source(%dma_start3A_45 : memref<100000x64xf32, #tpu.memory_space<hbm>>) target(%dma_start3A_40 : memref<128x64xf32, #tpu.memory_space<vmem>>) offsets(%dma_start3A_42 : memref<128xi32, #tpu.memory_space<vmem>>) semaphore(%arg18 : memref<!tpu.dma_semaphore, #tpu.memory_space<semaphore_mem>>)
    %dma_start3A_46 = arith.constant 128 : i32
    %dma_start3A_47 = tpu.memref_slice %arg14[%dma_start3A_46] : memref<512xf32, #tpu.memory_space<vmem>> -> memref<128xf32, #tpu.memory_space<vmem>>
    %dma_start3A_48 = arith.constant 128 : i32
    %dma_start3A_49 = tpu.memref_slice %arg10[%dma_start3A_48] : memref<512xi32, #tpu.memory_space<vmem>> -> memref<128xi32, #tpu.memory_space<vmem>>
    %dma_start3A_50 = arith.constant 0 : i32
    %dma_start3A_51 = tpu.memref_slice %arg6[%dma_start3A_50] : memref<1000000xf32, #tpu.memory_space<hbm>> -> memref<1000000xf32, #tpu.memory_space<hbm>>
    tpu.enqueue_indirect_dma source(%dma_start3A_51 : memref<1000000xf32, #tpu.memory_space<hbm>>) target(%dma_start3A_47 : memref<128xf32, #tpu.memory_space<vmem>>) offsets(%dma_start3A_49 : memref<128xi32, #tpu.memory_space<vmem>>) semaphore(%arg18 : memref<!tpu.dma_semaphore, #tpu.memory_space<semaphore_mem>>)
    %dma_start3A_52 = arith.constant 128 : i32
    %dma_start3A_53 = tpu.memref_slice %arg15[%dma_start3A_52] : memref<512xf32, #tpu.memory_space<vmem>> -> memref<128xf32, #tpu.memory_space<vmem>>
    %dma_start3A_54 = arith.constant 128 : i32
    %dma_start3A_55 = tpu.memref_slice %arg11[%dma_start3A_54] : memref<512xi32, #tpu.memory_space<vmem>> -> memref<128xi32, #tpu.memory_space<vmem>>
    %dma_start3A_56 = arith.constant 0 : i32
    %dma_start3A_57 = tpu.memref_slice %arg7[%dma_start3A_56] : memref<100000xf32, #tpu.memory_space<hbm>> -> memref<100000xf32, #tpu.memory_space<hbm>>
    tpu.enqueue_indirect_dma source(%dma_start3A_57 : memref<100000xf32, #tpu.memory_space<hbm>>) target(%dma_start3A_53 : memref<128xf32, #tpu.memory_space<vmem>>) offsets(%dma_start3A_55 : memref<128xi32, #tpu.memory_space<vmem>>) semaphore(%arg18 : memref<!tpu.dma_semaphore, #tpu.memory_space<semaphore_mem>>)
    %dma_start3A_58 = arith.constant 256 : i32
    %dma_start3A_59 = arith.constant 0 : i32
    %dma_start3A_60 = tpu.memref_slice %arg12[%dma_start3A_58, %dma_start3A_59] : memref<512x64xf32, #tpu.memory_space<vmem>> -> memref<128x64xf32, #tpu.memory_space<vmem>>
    %dma_start3A_61 = arith.constant 256 : i32
    %dma_start3A_62 = tpu.memref_slice %arg10[%dma_start3A_61] : memref<512xi32, #tpu.memory_space<vmem>> -> memref<128xi32, #tpu.memory_space<vmem>>
    %dma_start3A_63 = arith.constant 0 : i32
    %dma_start3A_64 = arith.constant 0 : i32
    %dma_start3A_65 = tpu.memref_slice %arg4[%dma_start3A_63, %dma_start3A_64] : memref<1000000x64xf32, #tpu.memory_space<hbm>> -> memref<1000000x64xf32, #tpu.memory_space<hbm>>
    tpu.enqueue_indirect_dma source(%dma_start3A_65 : memref<1000000x64xf32, #tpu.memory_space<hbm>>) target(%dma_start3A_60 : memref<128x64xf32, #tpu.memory_space<vmem>>) offsets(%dma_start3A_62 : memref<128xi32, #tpu.memory_space<vmem>>) semaphore(%arg18 : memref<!tpu.dma_semaphore, #tpu.memory_space<semaphore_mem>>)
    %dma_start3A_66 = arith.constant 256 : i32
    %dma_start3A_67 = arith.constant 0 : i32
    %dma_start3A_68 = tpu.memref_slice %arg13[%dma_start3A_66, %dma_start3A_67] : memref<512x64xf32, #tpu.memory_space<vmem>> -> memref<128x64xf32, #tpu.memory_space<vmem>>
    %dma_start3A_69 = arith.constant 256 : i32
    %dma_start3A_70 = tpu.memref_slice %arg11[%dma_start3A_69] : memref<512xi32, #tpu.memory_space<vmem>> -> memref<128xi32, #tpu.memory_space<vmem>>
    %dma_start3A_71 = arith.constant 0 : i32
    %dma_start3A_72 = arith.constant 0 : i32
    %dma_start3A_73 = tpu.memref_slice %arg5[%dma_start3A_71, %dma_start3A_72] : memref<100000x64xf32, #tpu.memory_space<hbm>> -> memref<100000x64xf32, #tpu.memory_space<hbm>>
    tpu.enqueue_indirect_dma source(%dma_start3A_73 : memref<100000x64xf32, #tpu.memory_space<hbm>>) target(%dma_start3A_68 : memref<128x64xf32, #tpu.memory_space<vmem>>) offsets(%dma_start3A_70 : memref<128xi32, #tpu.memory_space<vmem>>) semaphore(%arg18 : memref<!tpu.dma_semaphore, #tpu.memory_space<semaphore_mem>>)
    %dma_start3A_74 = arith.constant 256 : i32
    %dma_start3A_75 = tpu.memref_slice %arg14[%dma_start3A_74] : memref<512xf32, #tpu.memory_space<vmem>> -> memref<128xf32, #tpu.memory_space<vmem>>
    %dma_start3A_76 = arith.constant 256 : i32
    %dma_start3A_77 = tpu.memref_slice %arg10[%dma_start3A_76] : memref<512xi32, #tpu.memory_space<vmem>> -> memref<128xi32, #tpu.memory_space<vmem>>
    %dma_start3A_78 = arith.constant 0 : i32
    %dma_start3A_79 = tpu.memref_slice %arg6[%dma_start3A_78] : memref<1000000xf32, #tpu.memory_space<hbm>> -> memref<1000000xf32, #tpu.memory_space<hbm>>
    tpu.enqueue_indirect_dma source(%dma_start3A_79 : memref<1000000xf32, #tpu.memory_space<hbm>>) target(%dma_start3A_75 : memref<128xf32, #tpu.memory_space<vmem>>) offsets(%dma_start3A_77 : memref<128xi32, #tpu.memory_space<vmem>>) semaphore(%arg18 : memref<!tpu.dma_semaphore, #tpu.memory_space<semaphore_mem>>)
    %dma_start3A_80 = arith.constant 256 : i32
    %dma_start3A_81 = tpu.memref_slice %arg15[%dma_start3A_80] : memref<512xf32, #tpu.memory_space<vmem>> -> memref<128xf32, #tpu.memory_space<vmem>>
    %dma_start3A_82 = arith.constant 256 : i32
    %dma_start3A_83 = tpu.memref_slice %arg11[%dma_start3A_82] : memref<512xi32, #tpu.memory_space<vmem>> -> memref<128xi32, #tpu.memory_space<vmem>>
    %dma_start3A_84 = arith.constant 0 : i32
    %dma_start3A_85 = tpu.memref_slice %arg7[%dma_start3A_84] : memref<100000xf32, #tpu.memory_space<hbm>> -> memref<100000xf32, #tpu.memory_space<hbm>>
    tpu.enqueue_indirect_dma source(%dma_start3A_85 : memref<100000xf32, #tpu.memory_space<hbm>>) target(%dma_start3A_81 : memref<128xf32, #tpu.memory_space<vmem>>) offsets(%dma_start3A_83 : memref<128xi32, #tpu.memory_space<vmem>>) semaphore(%arg18 : memref<!tpu.dma_semaphore, #tpu.memory_space<semaphore_mem>>)
    %dma_start3A_86 = arith.constant 384 : i32
    %dma_start3A_87 = arith.constant 0 : i32
    %dma_start3A_88 = tpu.memref_slice %arg12[%dma_start3A_86, %dma_start3A_87] : memref<512x64xf32, #tpu.memory_space<vmem>> -> memref<128x64xf32, #tpu.memory_space<vmem>>
    %dma_start3A_89 = arith.constant 384 : i32
    %dma_start3A_90 = tpu.memref_slice %arg10[%dma_start3A_89] : memref<512xi32, #tpu.memory_space<vmem>> -> memref<128xi32, #tpu.memory_space<vmem>>
    %dma_start3A_91 = arith.constant 0 : i32
    %dma_start3A_92 = arith.constant 0 : i32
    %dma_start3A_93 = tpu.memref_slice %arg4[%dma_start3A_91, %dma_start3A_92] : memref<1000000x64xf32, #tpu.memory_space<hbm>> -> memref<1000000x64xf32, #tpu.memory_space<hbm>>
    tpu.enqueue_indirect_dma source(%dma_start3A_93 : memref<1000000x64xf32, #tpu.memory_space<hbm>>) target(%dma_start3A_88 : memref<128x64xf32, #tpu.memory_space<vmem>>) offsets(%dma_start3A_90 : memref<128xi32, #tpu.memory_space<vmem>>) semaphore(%arg18 : memref<!tpu.dma_semaphore, #tpu.memory_space<semaphore_mem>>)
    %dma_start3A_94 = arith.constant 384 : i32
    %dma_start3A_95 = arith.constant 0 : i32
    %dma_start3A_96 = tpu.memref_slice %arg13[%dma_start3A_94, %dma_start3A_95] : memref<512x64xf32, #tpu.memory_space<vmem>> -> memref<128x64xf32, #tpu.memory_space<vmem>>
    %dma_start3A_97 = arith.constant 384 : i32
    %dma_start3A_98 = tpu.memref_slice %arg11[%dma_start3A_97] : memref<512xi32, #tpu.memory_space<vmem>> -> memref<128xi32, #tpu.memory_space<vmem>>
    %dma_start3A_99 = arith.constant 0 : i32
    %dma_start3A_100 = arith.constant 0 : i32
    %dma_start3A_101 = tpu.memref_slice %arg5[%dma_start3A_99, %dma_start3A_100] : memref<100000x64xf32, #tpu.memory_space<hbm>> -> memref<100000x64xf32, #tpu.memory_space<hbm>>
    tpu.enqueue_indirect_dma source(%dma_start3A_101 : memref<100000x64xf32, #tpu.memory_space<hbm>>) target(%dma_start3A_96 : memref<128x64xf32, #tpu.memory_space<vmem>>) offsets(%dma_start3A_98 : memref<128xi32, #tpu.memory_space<vmem>>) semaphore(%arg18 : memref<!tpu.dma_semaphore, #tpu.memory_space<semaphore_mem>>)
    %dma_start3A_102 = arith.constant 384 : i32
    %dma_start3A_103 = tpu.memref_slice %arg14[%dma_start3A_102] : memref<512xf32, #tpu.memory_space<vmem>> -> memref<128xf32, #tpu.memory_space<vmem>>
    %dma_start3A_104 = arith.constant 384 : i32
    %dma_start3A_105 = tpu.memref_slice %arg10[%dma_start3A_104] : memref<512xi32, #tpu.memory_space<vmem>> -> memref<128xi32, #tpu.memory_space<vmem>>
    %dma_start3A_106 = arith.constant 0 : i32
    %dma_start3A_107 = tpu.memref_slice %arg6[%dma_start3A_106] : memref<1000000xf32, #tpu.memory_space<hbm>> -> memref<1000000xf32, #tpu.memory_space<hbm>>
    tpu.enqueue_indirect_dma source(%dma_start3A_107 : memref<1000000xf32, #tpu.memory_space<hbm>>) target(%dma_start3A_103 : memref<128xf32, #tpu.memory_space<vmem>>) offsets(%dma_start3A_105 : memref<128xi32, #tpu.memory_space<vmem>>) semaphore(%arg18 : memref<!tpu.dma_semaphore, #tpu.memory_space<semaphore_mem>>)
    %dma_start3A_108 = arith.constant 384 : i32
    %dma_start3A_109 = tpu.memref_slice %arg15[%dma_start3A_108] : memref<512xf32, #tpu.memory_space<vmem>> -> memref<128xf32, #tpu.memory_space<vmem>>
    %dma_start3A_110 = arith.constant 384 : i32
    %dma_start3A_111 = tpu.memref_slice %arg11[%dma_start3A_110] : memref<512xi32, #tpu.memory_space<vmem>> -> memref<128xi32, #tpu.memory_space<vmem>>
    %dma_start3A_112 = arith.constant 0 : i32
    %dma_start3A_113 = tpu.memref_slice %arg7[%dma_start3A_112] : memref<100000xf32, #tpu.memory_space<hbm>> -> memref<100000xf32, #tpu.memory_space<hbm>>
    tpu.enqueue_indirect_dma source(%dma_start3A_113 : memref<100000xf32, #tpu.memory_space<hbm>>) target(%dma_start3A_109 : memref<128xf32, #tpu.memory_space<vmem>>) offsets(%dma_start3A_111 : memref<128xi32, #tpu.memory_space<vmem>>) semaphore(%arg18 : memref<!tpu.dma_semaphore, #tpu.memory_space<semaphore_mem>>)
    %dma_wait3A = arith.constant 0 : i32
    %dma_wait3A_114 = arith.constant 0 : i32
    %dma_wait3A_115 = tpu.memref_slice %arg12[%dma_wait3A, %dma_wait3A_114] : memref<512x64xf32, #tpu.memory_space<vmem>> -> memref<128x64xf32, #tpu.memory_space<vmem>>
    %dma_wait3A_116 = arith.constant 0 : i32
    %dma_wait3A_117 = tpu.memref_slice %arg10[%dma_wait3A_116] : memref<512xi32, #tpu.memory_space<vmem>> -> memref<128xi32, #tpu.memory_space<vmem>>
    %dma_wait3A_118 = arith.constant 0 : i32
    %dma_wait3A_119 = arith.constant 0 : i32
    %dma_wait3A_120 = tpu.memref_slice %arg4[%dma_wait3A_118, %dma_wait3A_119] : memref<1000000x64xf32, #tpu.memory_space<hbm>> -> memref<1000000x64xf32, #tpu.memory_space<hbm>>
    tpu.wait_indirect_dma semaphore(%arg18 : memref<!tpu.dma_semaphore, #tpu.memory_space<semaphore_mem>>) src(%dma_wait3A_120 : memref<1000000x64xf32, #tpu.memory_space<hbm>>) dst(%dma_wait3A_115 : memref<128x64xf32, #tpu.memory_space<vmem>>)
    %dma_wait3A_121 = arith.constant 0 : i32
    %dma_wait3A_122 = arith.constant 0 : i32
    %dma_wait3A_123 = tpu.memref_slice %arg13[%dma_wait3A_121, %dma_wait3A_122] : memref<512x64xf32, #tpu.memory_space<vmem>> -> memref<128x64xf32, #tpu.memory_space<vmem>>
    %dma_wait3A_124 = arith.constant 0 : i32
    %dma_wait3A_125 = tpu.memref_slice %arg11[%dma_wait3A_124] : memref<512xi32, #tpu.memory_space<vmem>> -> memref<128xi32, #tpu.memory_space<vmem>>
    %dma_wait3A_126 = arith.constant 0 : i32
    %dma_wait3A_127 = arith.constant 0 : i32
    %dma_wait3A_128 = tpu.memref_slice %arg5[%dma_wait3A_126, %dma_wait3A_127] : memref<100000x64xf32, #tpu.memory_space<hbm>> -> memref<100000x64xf32, #tpu.memory_space<hbm>>
    tpu.wait_indirect_dma semaphore(%arg18 : memref<!tpu.dma_semaphore, #tpu.memory_space<semaphore_mem>>) src(%dma_wait3A_128 : memref<100000x64xf32, #tpu.memory_space<hbm>>) dst(%dma_wait3A_123 : memref<128x64xf32, #tpu.memory_space<vmem>>)
    %dma_wait3A_129 = arith.constant 0 : i32
    %dma_wait3A_130 = tpu.memref_slice %arg14[%dma_wait3A_129] : memref<512xf32, #tpu.memory_space<vmem>> -> memref<128xf32, #tpu.memory_space<vmem>>
    %dma_wait3A_131 = arith.constant 0 : i32
    %dma_wait3A_132 = tpu.memref_slice %arg10[%dma_wait3A_131] : memref<512xi32, #tpu.memory_space<vmem>> -> memref<128xi32, #tpu.memory_space<vmem>>
    %dma_wait3A_133 = arith.constant 0 : i32
    %dma_wait3A_134 = tpu.memref_slice %arg6[%dma_wait3A_133] : memref<1000000xf32, #tpu.memory_space<hbm>> -> memref<1000000xf32, #tpu.memory_space<hbm>>
    tpu.wait_indirect_dma semaphore(%arg18 : memref<!tpu.dma_semaphore, #tpu.memory_space<semaphore_mem>>) src(%dma_wait3A_134 : memref<1000000xf32, #tpu.memory_space<hbm>>) dst(%dma_wait3A_130 : memref<128xf32, #tpu.memory_space<vmem>>)
    %dma_wait3A_135 = arith.constant 0 : i32
    %dma_wait3A_136 = tpu.memref_slice %arg15[%dma_wait3A_135] : memref<512xf32, #tpu.memory_space<vmem>> -> memref<128xf32, #tpu.memory_space<vmem>>
    %dma_wait3A_137 = arith.constant 0 : i32
    %dma_wait3A_138 = tpu.memref_slice %arg11[%dma_wait3A_137] : memref<512xi32, #tpu.memory_space<vmem>> -> memref<128xi32, #tpu.memory_space<vmem>>
    %dma_wait3A_139 = arith.constant 0 : i32
    %dma_wait3A_140 = tpu.memref_slice %arg7[%dma_wait3A_139] : memref<100000xf32, #tpu.memory_space<hbm>> -> memref<100000xf32, #tpu.memory_space<hbm>>
    tpu.wait_indirect_dma semaphore(%arg18 : memref<!tpu.dma_semaphore, #tpu.memory_space<semaphore_mem>>) src(%dma_wait3A_140 : memref<100000xf32, #tpu.memory_space<hbm>>) dst(%dma_wait3A_136 : memref<128xf32, #tpu.memory_space<vmem>>)
    %dma_wait3A_141 = arith.constant 128 : i32
    %dma_wait3A_142 = arith.constant 0 : i32
    %dma_wait3A_143 = tpu.memref_slice %arg12[%dma_wait3A_141, %dma_wait3A_142] : memref<512x64xf32, #tpu.memory_space<vmem>> -> memref<128x64xf32, #tpu.memory_space<vmem>>
    %dma_wait3A_144 = arith.constant 128 : i32
    %dma_wait3A_145 = tpu.memref_slice %arg10[%dma_wait3A_144] : memref<512xi32, #tpu.memory_space<vmem>> -> memref<128xi32, #tpu.memory_space<vmem>>
    %dma_wait3A_146 = arith.constant 0 : i32
    %dma_wait3A_147 = arith.constant 0 : i32
    %dma_wait3A_148 = tpu.memref_slice %arg4[%dma_wait3A_146, %dma_wait3A_147] : memref<1000000x64xf32, #tpu.memory_space<hbm>> -> memref<1000000x64xf32, #tpu.memory_space<hbm>>
    tpu.wait_indirect_dma semaphore(%arg18 : memref<!tpu.dma_semaphore, #tpu.memory_space<semaphore_mem>>) src(%dma_wait3A_148 : memref<1000000x64xf32, #tpu.memory_space<hbm>>) dst(%dma_wait3A_143 : memref<128x64xf32, #tpu.memory_space<vmem>>)
    %dma_wait3A_149 = arith.constant 128 : i32
    %dma_wait3A_150 = arith.constant 0 : i32
    %dma_wait3A_151 = tpu.memref_slice %arg13[%dma_wait3A_149, %dma_wait3A_150] : memref<512x64xf32, #tpu.memory_space<vmem>> -> memref<128x64xf32, #tpu.memory_space<vmem>>
    %dma_wait3A_152 = arith.constant 128 : i32
    %dma_wait3A_153 = tpu.memref_slice %arg11[%dma_wait3A_152] : memref<512xi32, #tpu.memory_space<vmem>> -> memref<128xi32, #tpu.memory_space<vmem>>
    %dma_wait3A_154 = arith.constant 0 : i32
    %dma_wait3A_155 = arith.constant 0 : i32
    %dma_wait3A_156 = tpu.memref_slice %arg5[%dma_wait3A_154, %dma_wait3A_155] : memref<100000x64xf32, #tpu.memory_space<hbm>> -> memref<100000x64xf32, #tpu.memory_space<hbm>>
    tpu.wait_indirect_dma semaphore(%arg18 : memref<!tpu.dma_semaphore, #tpu.memory_space<semaphore_mem>>) src(%dma_wait3A_156 : memref<100000x64xf32, #tpu.memory_space<hbm>>) dst(%dma_wait3A_151 : memref<128x64xf32, #tpu.memory_space<vmem>>)
    %dma_wait3A_157 = arith.constant 128 : i32
    %dma_wait3A_158 = tpu.memref_slice %arg14[%dma_wait3A_157] : memref<512xf32, #tpu.memory_space<vmem>> -> memref<128xf32, #tpu.memory_space<vmem>>
    %dma_wait3A_159 = arith.constant 128 : i32
    %dma_wait3A_160 = tpu.memref_slice %arg10[%dma_wait3A_159] : memref<512xi32, #tpu.memory_space<vmem>> -> memref<128xi32, #tpu.memory_space<vmem>>
    %dma_wait3A_161 = arith.constant 0 : i32
    %dma_wait3A_162 = tpu.memref_slice %arg6[%dma_wait3A_161] : memref<1000000xf32, #tpu.memory_space<hbm>> -> memref<1000000xf32, #tpu.memory_space<hbm>>
    tpu.wait_indirect_dma semaphore(%arg18 : memref<!tpu.dma_semaphore, #tpu.memory_space<semaphore_mem>>) src(%dma_wait3A_162 : memref<1000000xf32, #tpu.memory_space<hbm>>) dst(%dma_wait3A_158 : memref<128xf32, #tpu.memory_space<vmem>>)
    %dma_wait3A_163 = arith.constant 128 : i32
    %dma_wait3A_164 = tpu.memref_slice %arg15[%dma_wait3A_163] : memref<512xf32, #tpu.memory_space<vmem>> -> memref<128xf32, #tpu.memory_space<vmem>>
    %dma_wait3A_165 = arith.constant 128 : i32
    %dma_wait3A_166 = tpu.memref_slice %arg11[%dma_wait3A_165] : memref<512xi32, #tpu.memory_space<vmem>> -> memref<128xi32, #tpu.memory_space<vmem>>
    %dma_wait3A_167 = arith.constant 0 : i32
    %dma_wait3A_168 = tpu.memref_slice %arg7[%dma_wait3A_167] : memref<100000xf32, #tpu.memory_space<hbm>> -> memref<100000xf32, #tpu.memory_space<hbm>>
    tpu.wait_indirect_dma semaphore(%arg18 : memref<!tpu.dma_semaphore, #tpu.memory_space<semaphore_mem>>) src(%dma_wait3A_168 : memref<100000xf32, #tpu.memory_space<hbm>>) dst(%dma_wait3A_164 : memref<128xf32, #tpu.memory_space<vmem>>)
    %dma_wait3A_169 = arith.constant 256 : i32
    %dma_wait3A_170 = arith.constant 0 : i32
    %dma_wait3A_171 = tpu.memref_slice %arg12[%dma_wait3A_169, %dma_wait3A_170] : memref<512x64xf32, #tpu.memory_space<vmem>> -> memref<128x64xf32, #tpu.memory_space<vmem>>
    %dma_wait3A_172 = arith.constant 256 : i32
    %dma_wait3A_173 = tpu.memref_slice %arg10[%dma_wait3A_172] : memref<512xi32, #tpu.memory_space<vmem>> -> memref<128xi32, #tpu.memory_space<vmem>>
    %dma_wait3A_174 = arith.constant 0 : i32
    %dma_wait3A_175 = arith.constant 0 : i32
    %dma_wait3A_176 = tpu.memref_slice %arg4[%dma_wait3A_174, %dma_wait3A_175] : memref<1000000x64xf32, #tpu.memory_space<hbm>> -> memref<1000000x64xf32, #tpu.memory_space<hbm>>
    tpu.wait_indirect_dma semaphore(%arg18 : memref<!tpu.dma_semaphore, #tpu.memory_space<semaphore_mem>>) src(%dma_wait3A_176 : memref<1000000x64xf32, #tpu.memory_space<hbm>>) dst(%dma_wait3A_171 : memref<128x64xf32, #tpu.memory_space<vmem>>)
    %dma_wait3A_177 = arith.constant 256 : i32
    %dma_wait3A_178 = arith.constant 0 : i32
    %dma_wait3A_179 = tpu.memref_slice %arg13[%dma_wait3A_177, %dma_wait3A_178] : memref<512x64xf32, #tpu.memory_space<vmem>> -> memref<128x64xf32, #tpu.memory_space<vmem>>
    %dma_wait3A_180 = arith.constant 256 : i32
    %dma_wait3A_181 = tpu.memref_slice %arg11[%dma_wait3A_180] : memref<512xi32, #tpu.memory_space<vmem>> -> memref<128xi32, #tpu.memory_space<vmem>>
    %dma_wait3A_182 = arith.constant 0 : i32
    %dma_wait3A_183 = arith.constant 0 : i32
    %dma_wait3A_184 = tpu.memref_slice %arg5[%dma_wait3A_182, %dma_wait3A_183] : memref<100000x64xf32, #tpu.memory_space<hbm>> -> memref<100000x64xf32, #tpu.memory_space<hbm>>
    tpu.wait_indirect_dma semaphore(%arg18 : memref<!tpu.dma_semaphore, #tpu.memory_space<semaphore_mem>>) src(%dma_wait3A_184 : memref<100000x64xf32, #tpu.memory_space<hbm>>) dst(%dma_wait3A_179 : memref<128x64xf32, #tpu.memory_space<vmem>>)
    %dma_wait3A_185 = arith.constant 256 : i32
    %dma_wait3A_186 = tpu.memref_slice %arg14[%dma_wait3A_185] : memref<512xf32, #tpu.memory_space<vmem>> -> memref<128xf32, #tpu.memory_space<vmem>>
    %dma_wait3A_187 = arith.constant 256 : i32
    %dma_wait3A_188 = tpu.memref_slice %arg10[%dma_wait3A_187] : memref<512xi32, #tpu.memory_space<vmem>> -> memref<128xi32, #tpu.memory_space<vmem>>
    %dma_wait3A_189 = arith.constant 0 : i32
    %dma_wait3A_190 = tpu.memref_slice %arg6[%dma_wait3A_189] : memref<1000000xf32, #tpu.memory_space<hbm>> -> memref<1000000xf32, #tpu.memory_space<hbm>>
    tpu.wait_indirect_dma semaphore(%arg18 : memref<!tpu.dma_semaphore, #tpu.memory_space<semaphore_mem>>) src(%dma_wait3A_190 : memref<1000000xf32, #tpu.memory_space<hbm>>) dst(%dma_wait3A_186 : memref<128xf32, #tpu.memory_space<vmem>>)
    %dma_wait3A_191 = arith.constant 256 : i32
    %dma_wait3A_192 = tpu.memref_slice %arg15[%dma_wait3A_191] : memref<512xf32, #tpu.memory_space<vmem>> -> memref<128xf32, #tpu.memory_space<vmem>>
    %dma_wait3A_193 = arith.constant 256 : i32
    %dma_wait3A_194 = tpu.memref_slice %arg11[%dma_wait3A_193] : memref<512xi32, #tpu.memory_space<vmem>> -> memref<128xi32, #tpu.memory_space<vmem>>
    %dma_wait3A_195 = arith.constant 0 : i32
    %dma_wait3A_196 = tpu.memref_slice %arg7[%dma_wait3A_195] : memref<100000xf32, #tpu.memory_space<hbm>> -> memref<100000xf32, #tpu.memory_space<hbm>>
    tpu.wait_indirect_dma semaphore(%arg18 : memref<!tpu.dma_semaphore, #tpu.memory_space<semaphore_mem>>) src(%dma_wait3A_196 : memref<100000xf32, #tpu.memory_space<hbm>>) dst(%dma_wait3A_192 : memref<128xf32, #tpu.memory_space<vmem>>)
    %dma_wait3A_197 = arith.constant 384 : i32
    %dma_wait3A_198 = arith.constant 0 : i32
    %dma_wait3A_199 = tpu.memref_slice %arg12[%dma_wait3A_197, %dma_wait3A_198] : memref<512x64xf32, #tpu.memory_space<vmem>> -> memref<128x64xf32, #tpu.memory_space<vmem>>
    %dma_wait3A_200 = arith.constant 384 : i32
    %dma_wait3A_201 = tpu.memref_slice %arg10[%dma_wait3A_200] : memref<512xi32, #tpu.memory_space<vmem>> -> memref<128xi32, #tpu.memory_space<vmem>>
    %dma_wait3A_202 = arith.constant 0 : i32
    %dma_wait3A_203 = arith.constant 0 : i32
    %dma_wait3A_204 = tpu.memref_slice %arg4[%dma_wait3A_202, %dma_wait3A_203] : memref<1000000x64xf32, #tpu.memory_space<hbm>> -> memref<1000000x64xf32, #tpu.memory_space<hbm>>
    tpu.wait_indirect_dma semaphore(%arg18 : memref<!tpu.dma_semaphore, #tpu.memory_space<semaphore_mem>>) src(%dma_wait3A_204 : memref<1000000x64xf32, #tpu.memory_space<hbm>>) dst(%dma_wait3A_199 : memref<128x64xf32, #tpu.memory_space<vmem>>)
    %dma_wait3A_205 = arith.constant 384 : i32
    %dma_wait3A_206 = arith.constant 0 : i32
    %dma_wait3A_207 = tpu.memref_slice %arg13[%dma_wait3A_205, %dma_wait3A_206] : memref<512x64xf32, #tpu.memory_space<vmem>> -> memref<128x64xf32, #tpu.memory_space<vmem>>
    %dma_wait3A_208 = arith.constant 384 : i32
    %dma_wait3A_209 = tpu.memref_slice %arg11[%dma_wait3A_208] : memref<512xi32, #tpu.memory_space<vmem>> -> memref<128xi32, #tpu.memory_space<vmem>>
    %dma_wait3A_210 = arith.constant 0 : i32
    %dma_wait3A_211 = arith.constant 0 : i32
    %dma_wait3A_212 = tpu.memref_slice %arg5[%dma_wait3A_210, %dma_wait3A_211] : memref<100000x64xf32, #tpu.memory_space<hbm>> -> memref<100000x64xf32, #tpu.memory_space<hbm>>
    tpu.wait_indirect_dma semaphore(%arg18 : memref<!tpu.dma_semaphore, #tpu.memory_space<semaphore_mem>>) src(%dma_wait3A_212 : memref<100000x64xf32, #tpu.memory_space<hbm>>) dst(%dma_wait3A_207 : memref<128x64xf32, #tpu.memory_space<vmem>>)
    %dma_wait3A_213 = arith.constant 384 : i32
    %dma_wait3A_214 = tpu.memref_slice %arg14[%dma_wait3A_213] : memref<512xf32, #tpu.memory_space<vmem>> -> memref<128xf32, #tpu.memory_space<vmem>>
    %dma_wait3A_215 = arith.constant 384 : i32
    %dma_wait3A_216 = tpu.memref_slice %arg10[%dma_wait3A_215] : memref<512xi32, #tpu.memory_space<vmem>> -> memref<128xi32, #tpu.memory_space<vmem>>
    %dma_wait3A_217 = arith.constant 0 : i32
    %dma_wait3A_218 = tpu.memref_slice %arg6[%dma_wait3A_217] : memref<1000000xf32, #tpu.memory_space<hbm>> -> memref<1000000xf32, #tpu.memory_space<hbm>>
    tpu.wait_indirect_dma semaphore(%arg18 : memref<!tpu.dma_semaphore, #tpu.memory_space<semaphore_mem>>) src(%dma_wait3A_218 : memref<1000000xf32, #tpu.memory_space<hbm>>) dst(%dma_wait3A_214 : memref<128xf32, #tpu.memory_space<vmem>>)
    %dma_wait3A_219 = arith.constant 384 : i32
    %dma_wait3A_220 = tpu.memref_slice %arg15[%dma_wait3A_219] : memref<512xf32, #tpu.memory_space<vmem>> -> memref<128xf32, #tpu.memory_space<vmem>>
    %dma_wait3A_221 = arith.constant 384 : i32
    %dma_wait3A_222 = tpu.memref_slice %arg11[%dma_wait3A_221] : memref<512xi32, #tpu.memory_space<vmem>> -> memref<128xi32, #tpu.memory_space<vmem>>
    %dma_wait3A_223 = arith.constant 0 : i32
    %dma_wait3A_224 = tpu.memref_slice %arg7[%dma_wait3A_223] : memref<100000xf32, #tpu.memory_space<hbm>> -> memref<100000xf32, #tpu.memory_space<hbm>>
    tpu.wait_indirect_dma semaphore(%arg18 : memref<!tpu.dma_semaphore, #tpu.memory_space<semaphore_mem>>) src(%dma_wait3A_224 : memref<100000xf32, #tpu.memory_space<hbm>>) dst(%dma_wait3A_220 : memref<128xf32, #tpu.memory_space<vmem>>)
    %get3A = arith.constant 0 : index
    %get3A_225 = tpu.vector_load %arg16[%get3A] {strides = array<i32>} : memref<16xf32, #tpu.memory_space<vmem>>, vector<16xf32>,
    %get3A_226 = vector.shape_cast %get3A_225 : vector<16xf32> to vector<16xf32>
    %iota3A = tpu.iota {dimensions = array<i32: 0>} : vector<16xi32>
    %mul3A_227 = arith.constant 2 : i32
    %mul3A_228 = vector.broadcast %mul3A_227 : i32 to vector<16xi32>
    %mul3A_229 = arith.muli %mul3A_228, %iota3A : vector<16xi32>
    %add3A_230 = arith.constant 0 : i32
    %add3A_231 = vector.broadcast %add3A_230 : i32 to vector<16xi32>
    %add3A_232 = arith.addi %add3A_231, %mul3A_229 : vector<16xi32>
    %jit3A = arith.constant 16 : i32
    %eq3A = arith.constant 0 : i32
    %eq3A_233 = arith.cmpi eq, %jit3A, %eq3A : i32
    %jit3A_234 = arith.constant 1 : i32
    %select_n3A = arith.select %eq3A_233, %jit3A_234, %jit3A : i32
    %rem3A = vector.broadcast %select_n3A : i32 to vector<16xi32>
    %rem3A_235 = arith.remsi %add3A_232, %rem3A : vector<16xi32>
    %ne3A = arith.constant 0 : i32
    %ne3A_236 = vector.broadcast %ne3A : i32 to vector<16xi32>
    %ne3A_237 = arith.cmpi ne, %rem3A_235, %ne3A_236 : vector<16xi32>
    %lt3A = arith.constant 0 : i32
    %lt3A_238 = vector.broadcast %lt3A : i32 to vector<16xi32>
    %lt3A_239 = arith.cmpi slt, %rem3A_235, %lt3A_238 : vector<16xi32>
    %lt3A_240 = arith.constant 0 : i32
    %lt3A_241 = arith.cmpi slt, %select_n3A, %lt3A_240 : i32
    %ne3A_242 = vector.broadcast %lt3A_241 : i1 to vector<16xi1>
    %ne3A_243 = vector.broadcast %ne3A_242 : vector<16xi1> to vector<16xi1>
    %ne3A_244 = arith.xori %lt3A_239, %ne3A_243 : vector<16xi1>
    %and3A = arith.andi %ne3A_244, %ne3A_237 : vector<16xi1>
    %add3A_245 = vector.broadcast %select_n3A : i32 to vector<16xi32>
    %add3A_246 = arith.addi %rem3A_235, %add3A_245 : vector<16xi32>
    %select_n3A_247 = arith.select %and3A, %add3A_246, %rem3A_235 : vector<16xi1>, vector<16xi32>
    %add3A_248 = arith.constant 1 : i32
    %add3A_249 = vector.broadcast %add3A_248 : i32 to vector<16xi32>
    %add3A_250 = arith.addi %select_n3A_247, %add3A_249 : vector<16xi32>
    %iota3A_251 = tpu.iota {dimensions = array<i32: 0>} : vector<16xi32>
    %lt3A_252 = arith.constant 8 : i32
    %lt3A_253 = vector.broadcast %lt3A_252 : i32 to vector<16xi32>
    %lt3A_254 = arith.cmpi slt, %iota3A_251, %lt3A_253 : vector<16xi32>
    %scan3A = arith.constant 0 : i32
    %scan3A_255 = arith.constant 0 : i32
    %scan3A_256 = arith.constant 32 : i32
    %scan3A_257 = arith.addi %scan3A_255, %scan3A_256 : i32
    %scan3A_258 = arith.constant 1 : i32
    scf.for %scan3A_260 = %scan3A_255 to %scan3A_257 step %scan3A_258  : i32 {
      %mul3A_261 = arith.constant 16 : i32
      %mul3A_262 = arith.muli %scan3A_260, %mul3A_261 : i32
      %add3A_263 = arith.constant 0 : i32
      %add3A_264 = arith.addi %mul3A_262, %add3A_263 : i32
      %get3A_265 = arith.index_cast %add3A_264 : i32 to index
      %get3A_266 = arith.constant 0 : index
      %get3A_267 = tpu.vector_load %arg12[%get3A_265, %get3A_266] {strides = array<i32>} : memref<512x64xf32, #tpu.memory_space<vmem>>, vector<1x16xf32>,
      %get3A_268 = vector.shape_cast %get3A_267 : vector<1x16xf32> to vector<16xf32>
      %get3A_269 = arith.index_cast %add3A_264 : i32 to index
      %get3A_270 = arith.constant 0 : index
      %get3A_271 = tpu.vector_load %arg13[%get3A_269, %get3A_270] {strides = array<i32>} : memref<512x64xf32, #tpu.memory_space<vmem>>, vector<1x16xf32>,
      %get3A_272 = vector.shape_cast %get3A_271 : vector<1x16xf32> to vector<16xf32>
      %mul3A_273 = arith.mulf %get3A_268, %get3A_272 : vector<16xf32>
      %get3A_274 = arith.index_cast %add3A_264 : i32 to index
      %get3A_275 = arith.constant 16 : index
      %get3A_276 = tpu.vector_load %arg12[%get3A_274, %get3A_275] {strides = array<i32>} : memref<512x64xf32, #tpu.memory_space<vmem>>, vector<1x16xf32>,
      %get3A_277 = vector.shape_cast %get3A_276 : vector<1x16xf32> to vector<16xf32>
      %get3A_278 = arith.index_cast %add3A_264 : i32 to index
      %get3A_279 = arith.constant 16 : index
      %get3A_280 = tpu.vector_load %arg13[%get3A_278, %get3A_279] {strides = array<i32>} : memref<512x64xf32, #tpu.memory_space<vmem>>, vector<1x16xf32>,
      %get3A_281 = vector.shape_cast %get3A_280 : vector<1x16xf32> to vector<16xf32>
      %mul3A_282 = arith.mulf %get3A_277, %get3A_281 : vector<16xf32>
      %add3A_283 = arith.addf %mul3A_273, %mul3A_282 : vector<16xf32>
      %get3A_284 = arith.index_cast %add3A_264 : i32 to index
      %get3A_285 = arith.constant 32 : index
      %get3A_286 = tpu.vector_load %arg12[%get3A_284, %get3A_285] {strides = array<i32>} : memref<512x64xf32, #tpu.memory_space<vmem>>, vector<1x16xf32>,
      %get3A_287 = vector.shape_cast %get3A_286 : vector<1x16xf32> to vector<16xf32>
      %get3A_288 = arith.index_cast %add3A_264 : i32 to index
      %get3A_289 = arith.constant 32 : index
      %get3A_290 = tpu.vector_load %arg13[%get3A_288, %get3A_289] {strides = array<i32>} : memref<512x64xf32, #tpu.memory_space<vmem>>, vector<1x16xf32>,
      %get3A_291 = vector.shape_cast %get3A_290 : vector<1x16xf32> to vector<16xf32>
      %mul3A_292 = arith.mulf %get3A_287, %get3A_291 : vector<16xf32>
      %add3A_293 = arith.addf %add3A_283, %mul3A_292 : vector<16xf32>
      %get3A_294 = arith.index_cast %add3A_264 : i32 to index
      %get3A_295 = arith.constant 48 : index
      %get3A_296 = tpu.vector_load %arg12[%get3A_294, %get3A_295] {strides = array<i32>} : memref<512x64xf32, #tpu.memory_space<vmem>>, vector<1x16xf32>,
      %get3A_297 = vector.shape_cast %get3A_296 : vector<1x16xf32> to vector<16xf32>
      %get3A_298 = arith.index_cast %add3A_264 : i32 to index
      %get3A_299 = arith.constant 48 : index
      %get3A_300 = tpu.vector_load %arg13[%get3A_298, %get3A_299] {strides = array<i32>} : memref<512x64xf32, #tpu.memory_space<vmem>>, vector<1x16xf32>,
      %get3A_301 = vector.shape_cast %get3A_300 : vector<1x16xf32> to vector<16xf32>
      %mul3A_302 = arith.mulf %get3A_297, %get3A_301 : vector<16xf32>
      %add3A_303 = arith.addf %add3A_293, %mul3A_302 : vector<16xf32>
      %add3A_304 = arith.constant 1 : i32
      %add3A_305 = arith.addi %mul3A_262, %add3A_304 : i32
      %get3A_306 = arith.index_cast %add3A_305 : i32 to index
      %get3A_307 = arith.constant 0 : index
      %get3A_308 = tpu.vector_load %arg12[%get3A_306, %get3A_307] {strides = array<i32>} : memref<512x64xf32, #tpu.memory_space<vmem>>, vector<1x16xf32>,
      %get3A_309 = vector.shape_cast %get3A_308 : vector<1x16xf32> to vector<16xf32>
      %get3A_310 = arith.index_cast %add3A_305 : i32 to index
      %get3A_311 = arith.constant 0 : index
      %get3A_312 = tpu.vector_load %arg13[%get3A_310, %get3A_311] {strides = array<i32>} : memref<512x64xf32, #tpu.memory_space<vmem>>, vector<1x16xf32>,
      %get3A_313 = vector.shape_cast %get3A_312 : vector<1x16xf32> to vector<16xf32>
      %mul3A_314 = arith.mulf %get3A_309, %get3A_313 : vector<16xf32>
      %get3A_315 = arith.index_cast %add3A_305 : i32 to index
      %get3A_316 = arith.constant 16 : index
      %get3A_317 = tpu.vector_load %arg12[%get3A_315, %get3A_316] {strides = array<i32>} : memref<512x64xf32, #tpu.memory_space<vmem>>, vector<1x16xf32>,
      %get3A_318 = vector.shape_cast %get3A_317 : vector<1x16xf32> to vector<16xf32>
      %get3A_319 = arith.index_cast %add3A_305 : i32 to index
      %get3A_320 = arith.constant 16 : index
      %get3A_321 = tpu.vector_load %arg13[%get3A_319, %get3A_320] {strides = array<i32>} : memref<512x64xf32, #tpu.memory_space<vmem>>, vector<1x16xf32>,
      %get3A_322 = vector.shape_cast %get3A_321 : vector<1x16xf32> to vector<16xf32>
      %mul3A_323 = arith.mulf %get3A_318, %get3A_322 : vector<16xf32>
      %add3A_324 = arith.addf %mul3A_314, %mul3A_323 : vector<16xf32>
      %get3A_325 = arith.index_cast %add3A_305 : i32 to index
      %get3A_326 = arith.constant 32 : index
      %get3A_327 = tpu.vector_load %arg12[%get3A_325, %get3A_326] {strides = array<i32>} : memref<512x64xf32, #tpu.memory_space<vmem>>, vector<1x16xf32>,
      %get3A_328 = vector.shape_cast %get3A_327 : vector<1x16xf32> to vector<16xf32>
      %get3A_329 = arith.index_cast %add3A_305 : i32 to index
      %get3A_330 = arith.constant 32 : index
      %get3A_331 = tpu.vector_load %arg13[%get3A_329, %get3A_330] {strides = array<i32>} : memref<512x64xf32, #tpu.memory_space<vmem>>, vector<1x16xf32>,
      %get3A_332 = vector.shape_cast %get3A_331 : vector<1x16xf32> to vector<16xf32>
      %mul3A_333 = arith.mulf %get3A_328, %get3A_332 : vector<16xf32>
      %add3A_334 = arith.addf %add3A_324, %mul3A_333 : vector<16xf32>
      %get3A_335 = arith.index_cast %add3A_305 : i32 to index
      %get3A_336 = arith.constant 48 : index
      %get3A_337 = tpu.vector_load %arg12[%get3A_335, %get3A_336] {strides = array<i32>} : memref<512x64xf32, #tpu.memory_space<vmem>>, vector<1x16xf32>,
      %get3A_338 = vector.shape_cast %get3A_337 : vector<1x16xf32> to vector<16xf32>
      %get3A_339 = arith.index_cast %add3A_305 : i32 to index
      %get3A_340 = arith.constant 48 : index
      %get3A_341 = tpu.vector_load %arg13[%get3A_339, %get3A_340] {strides = array<i32>} : memref<512x64xf32, #tpu.memory_space<vmem>>, vector<1x16xf32>,
      %get3A_342 = vector.shape_cast %get3A_341 : vector<1x16xf32> to vector<16xf32>
      %mul3A_343 = arith.mulf %get3A_338, %get3A_342 : vector<16xf32>
      %add3A_344 = arith.addf %add3A_334, %mul3A_343 : vector<16xf32>
      %add3A_345 = arith.constant 2 : i32
      %add3A_346 = arith.addi %mul3A_262, %add3A_345 : i32
      %get3A_347 = arith.index_cast %add3A_346 : i32 to index
      %get3A_348 = arith.constant 0 : index
      %get3A_349 = tpu.vector_load %arg12[%get3A_347, %get3A_348] {strides = array<i32>} : memref<512x64xf32, #tpu.memory_space<vmem>>, vector<1x16xf32>,
      %get3A_350 = vector.shape_cast %get3A_349 : vector<1x16xf32> to vector<16xf32>
      %get3A_351 = arith.index_cast %add3A_346 : i32 to index
      %get3A_352 = arith.constant 0 : index
      %get3A_353 = tpu.vector_load %arg13[%get3A_351, %get3A_352] {strides = array<i32>} : memref<512x64xf32, #tpu.memory_space<vmem>>, vector<1x16xf32>,
      %get3A_354 = vector.shape_cast %get3A_353 : vector<1x16xf32> to vector<16xf32>
      %mul3A_355 = arith.mulf %get3A_350, %get3A_354 : vector<16xf32>
      %get3A_356 = arith.index_cast %add3A_346 : i32 to index
      %get3A_357 = arith.constant 16 : index
      %get3A_358 = tpu.vector_load %arg12[%get3A_356, %get3A_357] {strides = array<i32>} : memref<512x64xf32, #tpu.memory_space<vmem>>, vector<1x16xf32>,
      %get3A_359 = vector.shape_cast %get3A_358 : vector<1x16xf32> to vector<16xf32>
      %get3A_360 = arith.index_cast %add3A_346 : i32 to index
      %get3A_361 = arith.constant 16 : index
      %get3A_362 = tpu.vector_load %arg13[%get3A_360, %get3A_361] {strides = array<i32>} : memref<512x64xf32, #tpu.memory_space<vmem>>, vector<1x16xf32>,
      %get3A_363 = vector.shape_cast %get3A_362 : vector<1x16xf32> to vector<16xf32>
      %mul3A_364 = arith.mulf %get3A_359, %get3A_363 : vector<16xf32>
      %add3A_365 = arith.addf %mul3A_355, %mul3A_364 : vector<16xf32>
      %get3A_366 = arith.index_cast %add3A_346 : i32 to index
      %get3A_367 = arith.constant 32 : index
      %get3A_368 = tpu.vector_load %arg12[%get3A_366, %get3A_367] {strides = array<i32>} : memref<512x64xf32, #tpu.memory_space<vmem>>, vector<1x16xf32>,
      %get3A_369 = vector.shape_cast %get3A_368 : vector<1x16xf32> to vector<16xf32>
      %get3A_370 = arith.index_cast %add3A_346 : i32 to index
      %get3A_371 = arith.constant 32 : index
      %get3A_372 = tpu.vector_load %arg13[%get3A_370, %get3A_371] {strides = array<i32>} : memref<512x64xf32, #tpu.memory_space<vmem>>, vector<1x16xf32>,
      %get3A_373 = vector.shape_cast %get3A_372 : vector<1x16xf32> to vector<16xf32>
      %mul3A_374 = arith.mulf %get3A_369, %get3A_373 : vector<16xf32>
      %add3A_375 = arith.addf %add3A_365, %mul3A_374 : vector<16xf32>
      %get3A_376 = arith.index_cast %add3A_346 : i32 to index
      %get3A_377 = arith.constant 48 : index
      %get3A_378 = tpu.vector_load %arg12[%get3A_376, %get3A_377] {strides = array<i32>} : memref<512x64xf32, #tpu.memory_space<vmem>>, vector<1x16xf32>,
      %get3A_379 = vector.shape_cast %get3A_378 : vector<1x16xf32> to vector<16xf32>
      %get3A_380 = arith.index_cast %add3A_346 : i32 to index
      %get3A_381 = arith.constant 48 : index
      %get3A_382 = tpu.vector_load %arg13[%get3A_380, %get3A_381] {strides = array<i32>} : memref<512x64xf32, #tpu.memory_space<vmem>>, vector<1x16xf32>,
      %get3A_383 = vector.shape_cast %get3A_382 : vector<1x16xf32> to vector<16xf32>
      %mul3A_384 = arith.mulf %get3A_379, %get3A_383 : vector<16xf32>
      %add3A_385 = arith.addf %add3A_375, %mul3A_384 : vector<16xf32>
      %add3A_386 = arith.constant 3 : i32
      %add3A_387 = arith.addi %mul3A_262, %add3A_386 : i32
      %get3A_388 = arith.index_cast %add3A_387 : i32 to index
      %get3A_389 = arith.constant 0 : index
      %get3A_390 = tpu.vector_load %arg12[%get3A_388, %get3A_389] {strides = array<i32>} : memref<512x64xf32, #tpu.memory_space<vmem>>, vector<1x16xf32>,
      %get3A_391 = vector.shape_cast %get3A_390 : vector<1x16xf32> to vector<16xf32>
      %get3A_392 = arith.index_cast %add3A_387 : i32 to index
      %get3A_393 = arith.constant 0 : index
      %get3A_394 = tpu.vector_load %arg13[%get3A_392, %get3A_393] {strides = array<i32>} : memref<512x64xf32, #tpu.memory_space<vmem>>, vector<1x16xf32>,
      %get3A_395 = vector.shape_cast %get3A_394 : vector<1x16xf32> to vector<16xf32>
      %mul3A_396 = arith.mulf %get3A_391, %get3A_395 : vector<16xf32>
      %get3A_397 = arith.index_cast %add3A_387 : i32 to index
      %get3A_398 = arith.constant 16 : index
      %get3A_399 = tpu.vector_load %arg12[%get3A_397, %get3A_398] {strides = array<i32>} : memref<512x64xf32, #tpu.memory_space<vmem>>, vector<1x16xf32>,
      %get3A_400 = vector.shape_cast %get3A_399 : vector<1x16xf32> to vector<16xf32>
      %get3A_401 = arith.index_cast %add3A_387 : i32 to index
      %get3A_402 = arith.constant 16 : index
      %get3A_403 = tpu.vector_load %arg13[%get3A_401, %get3A_402] {strides = array<i32>} : memref<512x64xf32, #tpu.memory_space<vmem>>, vector<1x16xf32>,
      %get3A_404 = vector.shape_cast %get3A_403 : vector<1x16xf32> to vector<16xf32>
      %mul3A_405 = arith.mulf %get3A_400, %get3A_404 : vector<16xf32>
      %add3A_406 = arith.addf %mul3A_396, %mul3A_405 : vector<16xf32>
      %get3A_407 = arith.index_cast %add3A_387 : i32 to index
      %get3A_408 = arith.constant 32 : index
      %get3A_409 = tpu.vector_load %arg12[%get3A_407, %get3A_408] {strides = array<i32>} : memref<512x64xf32, #tpu.memory_space<vmem>>, vector<1x16xf32>,
      %get3A_410 = vector.shape_cast %get3A_409 : vector<1x16xf32> to vector<16xf32>
      %get3A_411 = arith.index_cast %add3A_387 : i32 to index
      %get3A_412 = arith.constant 32 : index
      %get3A_413 = tpu.vector_load %arg13[%get3A_411, %get3A_412] {strides = array<i32>} : memref<512x64xf32, #tpu.memory_space<vmem>>, vector<1x16xf32>,
      %get3A_414 = vector.shape_cast %get3A_413 : vector<1x16xf32> to vector<16xf32>
      %mul3A_415 = arith.mulf %get3A_410, %get3A_414 : vector<16xf32>
      %add3A_416 = arith.addf %add3A_406, %mul3A_415 : vector<16xf32>
      %get3A_417 = arith.index_cast %add3A_387 : i32 to index
      %get3A_418 = arith.constant 48 : index
      %get3A_419 = tpu.vector_load %arg12[%get3A_417, %get3A_418] {strides = array<i32>} : memref<512x64xf32, #tpu.memory_space<vmem>>, vector<1x16xf32>,
      %get3A_420 = vector.shape_cast %get3A_419 : vector<1x16xf32> to vector<16xf32>
      %get3A_421 = arith.index_cast %add3A_387 : i32 to index
      %get3A_422 = arith.constant 48 : index
      %get3A_423 = tpu.vector_load %arg13[%get3A_421, %get3A_422] {strides = array<i32>} : memref<512x64xf32, #tpu.memory_space<vmem>>, vector<1x16xf32>,
      %get3A_424 = vector.shape_cast %get3A_423 : vector<1x16xf32> to vector<16xf32>
      %mul3A_425 = arith.mulf %get3A_420, %get3A_424 : vector<16xf32>
      %add3A_426 = arith.addf %add3A_416, %mul3A_425 : vector<16xf32>
      %add3A_427 = arith.constant 4 : i32
      %add3A_428 = arith.addi %mul3A_262, %add3A_427 : i32
      %get3A_429 = arith.index_cast %add3A_428 : i32 to index
      %get3A_430 = arith.constant 0 : index
      %get3A_431 = tpu.vector_load %arg12[%get3A_429, %get3A_430] {strides = array<i32>} : memref<512x64xf32, #tpu.memory_space<vmem>>, vector<1x16xf32>,
      %get3A_432 = vector.shape_cast %get3A_431 : vector<1x16xf32> to vector<16xf32>
      %get3A_433 = arith.index_cast %add3A_428 : i32 to index
      %get3A_434 = arith.constant 0 : index
      %get3A_435 = tpu.vector_load %arg13[%get3A_433, %get3A_434] {strides = array<i32>} : memref<512x64xf32, #tpu.memory_space<vmem>>, vector<1x16xf32>,
      %get3A_436 = vector.shape_cast %get3A_435 : vector<1x16xf32> to vector<16xf32>
      %mul3A_437 = arith.mulf %get3A_432, %get3A_436 : vector<16xf32>
      %get3A_438 = arith.index_cast %add3A_428 : i32 to index
      %get3A_439 = arith.constant 16 : index
      %get3A_440 = tpu.vector_load %arg12[%get3A_438, %get3A_439] {strides = array<i32>} : memref<512x64xf32, #tpu.memory_space<vmem>>, vector<1x16xf32>,
      %get3A_441 = vector.shape_cast %get3A_440 : vector<1x16xf32> to vector<16xf32>
      %get3A_442 = arith.index_cast %add3A_428 : i32 to index
      %get3A_443 = arith.constant 16 : index
      %get3A_444 = tpu.vector_load %arg13[%get3A_442, %get3A_443] {strides = array<i32>} : memref<512x64xf32, #tpu.memory_space<vmem>>, vector<1x16xf32>,
      %get3A_445 = vector.shape_cast %get3A_444 : vector<1x16xf32> to vector<16xf32>
      %mul3A_446 = arith.mulf %get3A_441, %get3A_445 : vector<16xf32>
      %add3A_447 = arith.addf %mul3A_437, %mul3A_446 : vector<16xf32>
      %get3A_448 = arith.index_cast %add3A_428 : i32 to index
      %get3A_449 = arith.constant 32 : index
      %get3A_450 = tpu.vector_load %arg12[%get3A_448, %get3A_449] {strides = array<i32>} : memref<512x64xf32, #tpu.memory_space<vmem>>, vector<1x16xf32>,
      %get3A_451 = vector.shape_cast %get3A_450 : vector<1x16xf32> to vector<16xf32>
      %get3A_452 = arith.index_cast %add3A_428 : i32 to index
      %get3A_453 = arith.constant 32 : index
      %get3A_454 = tpu.vector_load %arg13[%get3A_452, %get3A_453] {strides = array<i32>} : memref<512x64xf32, #tpu.memory_space<vmem>>, vector<1x16xf32>,
      %get3A_455 = vector.shape_cast %get3A_454 : vector<1x16xf32> to vector<16xf32>
      %mul3A_456 = arith.mulf %get3A_451, %get3A_455 : vector<16xf32>
      %add3A_457 = arith.addf %add3A_447, %mul3A_456 : vector<16xf32>
      %get3A_458 = arith.index_cast %add3A_428 : i32 to index
      %get3A_459 = arith.constant 48 : index
      %get3A_460 = tpu.vector_load %arg12[%get3A_458, %get3A_459] {strides = array<i32>} : memref<512x64xf32, #tpu.memory_space<vmem>>, vector<1x16xf32>,
      %get3A_461 = vector.shape_cast %get3A_460 : vector<1x16xf32> to vector<16xf32>
      %get3A_462 = arith.index_cast %add3A_428 : i32 to index
      %get3A_463 = arith.constant 48 : index
      %get3A_464 = tpu.vector_load %arg13[%get3A_462, %get3A_463] {strides = array<i32>} : memref<512x64xf32, #tpu.memory_space<vmem>>, vector<1x16xf32>,
      %get3A_465 = vector.shape_cast %get3A_464 : vector<1x16xf32> to vector<16xf32>
      %mul3A_466 = arith.mulf %get3A_461, %get3A_465 : vector<16xf32>
      %add3A_467 = arith.addf %add3A_457, %mul3A_466 : vector<16xf32>
      %add3A_468 = arith.constant 5 : i32
      %add3A_469 = arith.addi %mul3A_262, %add3A_468 : i32
      %get3A_470 = arith.index_cast %add3A_469 : i32 to index
      %get3A_471 = arith.constant 0 : index
      %get3A_472 = tpu.vector_load %arg12[%get3A_470, %get3A_471] {strides = array<i32>} : memref<512x64xf32, #tpu.memory_space<vmem>>, vector<1x16xf32>,
      %get3A_473 = vector.shape_cast %get3A_472 : vector<1x16xf32> to vector<16xf32>
      %get3A_474 = arith.index_cast %add3A_469 : i32 to index
      %get3A_475 = arith.constant 0 : index
      %get3A_476 = tpu.vector_load %arg13[%get3A_474, %get3A_475] {strides = array<i32>} : memref<512x64xf32, #tpu.memory_space<vmem>>, vector<1x16xf32>,
      %get3A_477 = vector.shape_cast %get3A_476 : vector<1x16xf32> to vector<16xf32>
      %mul3A_478 = arith.mulf %get3A_473, %get3A_477 : vector<16xf32>
      %get3A_479 = arith.index_cast %add3A_469 : i32 to index
      %get3A_480 = arith.constant 16 : index
      %get3A_481 = tpu.vector_load %arg12[%get3A_479, %get3A_480] {strides = array<i32>} : memref<512x64xf32, #tpu.memory_space<vmem>>, vector<1x16xf32>,
      %get3A_482 = vector.shape_cast %get3A_481 : vector<1x16xf32> to vector<16xf32>
      %get3A_483 = arith.index_cast %add3A_469 : i32 to index
      %get3A_484 = arith.constant 16 : index
      %get3A_485 = tpu.vector_load %arg13[%get3A_483, %get3A_484] {strides = array<i32>} : memref<512x64xf32, #tpu.memory_space<vmem>>, vector<1x16xf32>,
      %get3A_486 = vector.shape_cast %get3A_485 : vector<1x16xf32> to vector<16xf32>
      %mul3A_487 = arith.mulf %get3A_482, %get3A_486 : vector<16xf32>
      %add3A_488 = arith.addf %mul3A_478, %mul3A_487 : vector<16xf32>
      %get3A_489 = arith.index_cast %add3A_469 : i32 to index
      %get3A_490 = arith.constant 32 : index
      %get3A_491 = tpu.vector_load %arg12[%get3A_489, %get3A_490] {strides = array<i32>} : memref<512x64xf32, #tpu.memory_space<vmem>>, vector<1x16xf32>,
      %get3A_492 = vector.shape_cast %get3A_491 : vector<1x16xf32> to vector<16xf32>
      %get3A_493 = arith.index_cast %add3A_469 : i32 to index
      %get3A_494 = arith.constant 32 : index
      %get3A_495 = tpu.vector_load %arg13[%get3A_493, %get3A_494] {strides = array<i32>} : memref<512x64xf32, #tpu.memory_space<vmem>>, vector<1x16xf32>,
      %get3A_496 = vector.shape_cast %get3A_495 : vector<1x16xf32> to vector<16xf32>
      %mul3A_497 = arith.mulf %get3A_492, %get3A_496 : vector<16xf32>
      %add3A_498 = arith.addf %add3A_488, %mul3A_497 : vector<16xf32>
      %get3A_499 = arith.index_cast %add3A_469 : i32 to index
      %get3A_500 = arith.constant 48 : index
      %get3A_501 = tpu.vector_load %arg12[%get3A_499, %get3A_500] {strides = array<i32>} : memref<512x64xf32, #tpu.memory_space<vmem>>, vector<1x16xf32>,
      %get3A_502 = vector.shape_cast %get3A_501 : vector<1x16xf32> to vector<16xf32>
      %get3A_503 = arith.index_cast %add3A_469 : i32 to index
      %get3A_504 = arith.constant 48 : index
      %get3A_505 = tpu.vector_load %arg13[%get3A_503, %get3A_504] {strides = array<i32>} : memref<512x64xf32, #tpu.memory_space<vmem>>, vector<1x16xf32>,
      %get3A_506 = vector.shape_cast %get3A_505 : vector<1x16xf32> to vector<16xf32>
      %mul3A_507 = arith.mulf %get3A_502, %get3A_506 : vector<16xf32>
      %add3A_508 = arith.addf %add3A_498, %mul3A_507 : vector<16xf32>
      %add3A_509 = arith.constant 6 : i32
      %add3A_510 = arith.addi %mul3A_262, %add3A_509 : i32
      %get3A_511 = arith.index_cast %add3A_510 : i32 to index
      %get3A_512 = arith.constant 0 : index
      %get3A_513 = tpu.vector_load %arg12[%get3A_511, %get3A_512] {strides = array<i32>} : memref<512x64xf32, #tpu.memory_space<vmem>>, vector<1x16xf32>,
      %get3A_514 = vector.shape_cast %get3A_513 : vector<1x16xf32> to vector<16xf32>
      %get3A_515 = arith.index_cast %add3A_510 : i32 to index
      %get3A_516 = arith.constant 0 : index
      %get3A_517 = tpu.vector_load %arg13[%get3A_515, %get3A_516] {strides = array<i32>} : memref<512x64xf32, #tpu.memory_space<vmem>>, vector<1x16xf32>,
      %get3A_518 = vector.shape_cast %get3A_517 : vector<1x16xf32> to vector<16xf32>
      %mul3A_519 = arith.mulf %get3A_514, %get3A_518 : vector<16xf32>
      %get3A_520 = arith.index_cast %add3A_510 : i32 to index
      %get3A_521 = arith.constant 16 : index
      %get3A_522 = tpu.vector_load %arg12[%get3A_520, %get3A_521] {strides = array<i32>} : memref<512x64xf32, #tpu.memory_space<vmem>>, vector<1x16xf32>,
      %get3A_523 = vector.shape_cast %get3A_522 : vector<1x16xf32> to vector<16xf32>
      %get3A_524 = arith.index_cast %add3A_510 : i32 to index
      %get3A_525 = arith.constant 16 : index
      %get3A_526 = tpu.vector_load %arg13[%get3A_524, %get3A_525] {strides = array<i32>} : memref<512x64xf32, #tpu.memory_space<vmem>>, vector<1x16xf32>,
      %get3A_527 = vector.shape_cast %get3A_526 : vector<1x16xf32> to vector<16xf32>
      %mul3A_528 = arith.mulf %get3A_523, %get3A_527 : vector<16xf32>
      %add3A_529 = arith.addf %mul3A_519, %mul3A_528 : vector<16xf32>
      %get3A_530 = arith.index_cast %add3A_510 : i32 to index
      %get3A_531 = arith.constant 32 : index
      %get3A_532 = tpu.vector_load %arg12[%get3A_530, %get3A_531] {strides = array<i32>} : memref<512x64xf32, #tpu.memory_space<vmem>>, vector<1x16xf32>,
      %get3A_533 = vector.shape_cast %get3A_532 : vector<1x16xf32> to vector<16xf32>
      %get3A_534 = arith.index_cast %add3A_510 : i32 to index
      %get3A_535 = arith.constant 32 : index
      %get3A_536 = tpu.vector_load %arg13[%get3A_534, %get3A_535] {strides = array<i32>} : memref<512x64xf32, #tpu.memory_space<vmem>>, vector<1x16xf32>,
      %get3A_537 = vector.shape_cast %get3A_536 : vector<1x16xf32> to vector<16xf32>
      %mul3A_538 = arith.mulf %get3A_533, %get3A_537 : vector<16xf32>
      %add3A_539 = arith.addf %add3A_529, %mul3A_538 : vector<16xf32>
      %get3A_540 = arith.index_cast %add3A_510 : i32 to index
      %get3A_541 = arith.constant 48 : index
      %get3A_542 = tpu.vector_load %arg12[%get3A_540, %get3A_541] {strides = array<i32>} : memref<512x64xf32, #tpu.memory_space<vmem>>, vector<1x16xf32>,
      %get3A_543 = vector.shape_cast %get3A_542 : vector<1x16xf32> to vector<16xf32>
      %get3A_544 = arith.index_cast %add3A_510 : i32 to index
      %get3A_545 = arith.constant 48 : index
      %get3A_546 = tpu.vector_load %arg13[%get3A_544, %get3A_545] {strides = array<i32>} : memref<512x64xf32, #tpu.memory_space<vmem>>, vector<1x16xf32>,
      %get3A_547 = vector.shape_cast %get3A_546 : vector<1x16xf32> to vector<16xf32>
      %mul3A_548 = arith.mulf %get3A_543, %get3A_547 : vector<16xf32>
      %add3A_549 = arith.addf %add3A_539, %mul3A_548 : vector<16xf32>
      %add3A_550 = arith.constant 7 : i32
      %add3A_551 = arith.addi %mul3A_262, %add3A_550 : i32
      %get3A_552 = arith.index_cast %add3A_551 : i32 to index
      %get3A_553 = arith.constant 0 : index
      %get3A_554 = tpu.vector_load %arg12[%get3A_552, %get3A_553] {strides = array<i32>} : memref<512x64xf32, #tpu.memory_space<vmem>>, vector<1x16xf32>,
      %get3A_555 = vector.shape_cast %get3A_554 : vector<1x16xf32> to vector<16xf32>
      %get3A_556 = arith.index_cast %add3A_551 : i32 to index
      %get3A_557 = arith.constant 0 : index
      %get3A_558 = tpu.vector_load %arg13[%get3A_556, %get3A_557] {strides = array<i32>} : memref<512x64xf32, #tpu.memory_space<vmem>>, vector<1x16xf32>,
      %get3A_559 = vector.shape_cast %get3A_558 : vector<1x16xf32> to vector<16xf32>
      %mul3A_560 = arith.mulf %get3A_555, %get3A_559 : vector<16xf32>
      %get3A_561 = arith.index_cast %add3A_551 : i32 to index
      %get3A_562 = arith.constant 16 : index
      %get3A_563 = tpu.vector_load %arg12[%get3A_561, %get3A_562] {strides = array<i32>} : memref<512x64xf32, #tpu.memory_space<vmem>>, vector<1x16xf32>,
      %get3A_564 = vector.shape_cast %get3A_563 : vector<1x16xf32> to vector<16xf32>
      %get3A_565 = arith.index_cast %add3A_551 : i32 to index
      %get3A_566 = arith.constant 16 : index
      %get3A_567 = tpu.vector_load %arg13[%get3A_565, %get3A_566] {strides = array<i32>} : memref<512x64xf32, #tpu.memory_space<vmem>>, vector<1x16xf32>,
      %get3A_568 = vector.shape_cast %get3A_567 : vector<1x16xf32> to vector<16xf32>
      %mul3A_569 = arith.mulf %get3A_564, %get3A_568 : vector<16xf32>
      %add3A_570 = arith.addf %mul3A_560, %mul3A_569 : vector<16xf32>
      %get3A_571 = arith.index_cast %add3A_551 : i32 to index
      %get3A_572 = arith.constant 32 : index
      %get3A_573 = tpu.vector_load %arg12[%get3A_571, %get3A_572] {strides = array<i32>} : memref<512x64xf32, #tpu.memory_space<vmem>>, vector<1x16xf32>,
      %get3A_574 = vector.shape_cast %get3A_573 : vector<1x16xf32> to vector<16xf32>
      %get3A_575 = arith.index_cast %add3A_551 : i32 to index
      %get3A_576 = arith.constant 32 : index
      %get3A_577 = tpu.vector_load %arg13[%get3A_575, %get3A_576] {strides = array<i32>} : memref<512x64xf32, #tpu.memory_space<vmem>>, vector<1x16xf32>,
      %get3A_578 = vector.shape_cast %get3A_577 : vector<1x16xf32> to vector<16xf32>
      %mul3A_579 = arith.mulf %get3A_574, %get3A_578 : vector<16xf32>
      %add3A_580 = arith.addf %add3A_570, %mul3A_579 : vector<16xf32>
      %get3A_581 = arith.index_cast %add3A_551 : i32 to index
      %get3A_582 = arith.constant 48 : index
      %get3A_583 = tpu.vector_load %arg12[%get3A_581, %get3A_582] {strides = array<i32>} : memref<512x64xf32, #tpu.memory_space<vmem>>, vector<1x16xf32>,
      %get3A_584 = vector.shape_cast %get3A_583 : vector<1x16xf32> to vector<16xf32>
      %get3A_585 = arith.index_cast %add3A_551 : i32 to index
      %get3A_586 = arith.constant 48 : index
      %get3A_587 = tpu.vector_load %arg13[%get3A_585, %get3A_586] {strides = array<i32>} : memref<512x64xf32, #tpu.memory_space<vmem>>, vector<1x16xf32>,
      %get3A_588 = vector.shape_cast %get3A_587 : vector<1x16xf32> to vector<16xf32>
      %mul3A_589 = arith.mulf %get3A_584, %get3A_588 : vector<16xf32>
      %add3A_590 = arith.addf %add3A_580, %mul3A_589 : vector<16xf32>
      %add3A_591 = arith.constant 8 : i32
      %add3A_592 = arith.addi %mul3A_262, %add3A_591 : i32
      %get3A_593 = arith.index_cast %add3A_592 : i32 to index
      %get3A_594 = arith.constant 0 : index
      %get3A_595 = tpu.vector_load %arg12[%get3A_593, %get3A_594] {strides = array<i32>} : memref<512x64xf32, #tpu.memory_space<vmem>>, vector<1x16xf32>,
      %get3A_596 = vector.shape_cast %get3A_595 : vector<1x16xf32> to vector<16xf32>
      %get3A_597 = arith.index_cast %add3A_592 : i32 to index
      %get3A_598 = arith.constant 0 : index
      %get3A_599 = tpu.vector_load %arg13[%get3A_597, %get3A_598] {strides = array<i32>} : memref<512x64xf32, #tpu.memory_space<vmem>>, vector<1x16xf32>,
      %get3A_600 = vector.shape_cast %get3A_599 : vector<1x16xf32> to vector<16xf32>
      %mul3A_601 = arith.mulf %get3A_596, %get3A_600 : vector<16xf32>
      %get3A_602 = arith.index_cast %add3A_592 : i32 to index
      %get3A_603 = arith.constant 16 : index
      %get3A_604 = tpu.vector_load %arg12[%get3A_602, %get3A_603] {strides = array<i32>} : memref<512x64xf32, #tpu.memory_space<vmem>>, vector<1x16xf32>,
      %get3A_605 = vector.shape_cast %get3A_604 : vector<1x16xf32> to vector<16xf32>
      %get3A_606 = arith.index_cast %add3A_592 : i32 to index
      %get3A_607 = arith.constant 16 : index
      %get3A_608 = tpu.vector_load %arg13[%get3A_606, %get3A_607] {strides = array<i32>} : memref<512x64xf32, #tpu.memory_space<vmem>>, vector<1x16xf32>,
      %get3A_609 = vector.shape_cast %get3A_608 : vector<1x16xf32> to vector<16xf32>
      %mul3A_610 = arith.mulf %get3A_605, %get3A_609 : vector<16xf32>
      %add3A_611 = arith.addf %mul3A_601, %mul3A_610 : vector<16xf32>
      %get3A_612 = arith.index_cast %add3A_592 : i32 to index
      %get3A_613 = arith.constant 32 : index
      %get3A_614 = tpu.vector_load %arg12[%get3A_612, %get3A_613] {strides = array<i32>} : memref<512x64xf32, #tpu.memory_space<vmem>>, vector<1x16xf32>,
      %get3A_615 = vector.shape_cast %get3A_614 : vector<1x16xf32> to vector<16xf32>
      %get3A_616 = arith.index_cast %add3A_592 : i32 to index
      %get3A_617 = arith.constant 32 : index
      %get3A_618 = tpu.vector_load %arg13[%get3A_616, %get3A_617] {strides = array<i32>} : memref<512x64xf32, #tpu.memory_space<vmem>>, vector<1x16xf32>,
      %get3A_619 = vector.shape_cast %get3A_618 : vector<1x16xf32> to vector<16xf32>
      %mul3A_620 = arith.mulf %get3A_615, %get3A_619 : vector<16xf32>
      %add3A_621 = arith.addf %add3A_611, %mul3A_620 : vector<16xf32>
      %get3A_622 = arith.index_cast %add3A_592 : i32 to index
      %get3A_623 = arith.constant 48 : index
      %get3A_624 = tpu.vector_load %arg12[%get3A_622, %get3A_623] {strides = array<i32>} : memref<512x64xf32, #tpu.memory_space<vmem>>, vector<1x16xf32>,
      %get3A_625 = vector.shape_cast %get3A_624 : vector<1x16xf32> to vector<16xf32>
      %get3A_626 = arith.index_cast %add3A_592 : i32 to index
      %get3A_627 = arith.constant 48 : index
      %get3A_628 = tpu.vector_load %arg13[%get3A_626, %get3A_627] {strides = array<i32>} : memref<512x64xf32, #tpu.memory_space<vmem>>, vector<1x16xf32>,
      %get3A_629 = vector.shape_cast %get3A_628 : vector<1x16xf32> to vector<16xf32>
      %mul3A_630 = arith.mulf %get3A_625, %get3A_629 : vector<16xf32>
      %add3A_631 = arith.addf %add3A_621, %mul3A_630 : vector<16xf32>
      %add3A_632 = arith.constant 9 : i32
      %add3A_633 = arith.addi %mul3A_262, %add3A_632 : i32
      %get3A_634 = arith.index_cast %add3A_633 : i32 to index
      %get3A_635 = arith.constant 0 : index
      %get3A_636 = tpu.vector_load %arg12[%get3A_634, %get3A_635] {strides = array<i32>} : memref<512x64xf32, #tpu.memory_space<vmem>>, vector<1x16xf32>,
      %get3A_637 = vector.shape_cast %get3A_636 : vector<1x16xf32> to vector<16xf32>
      %get3A_638 = arith.index_cast %add3A_633 : i32 to index
      %get3A_639 = arith.constant 0 : index
      %get3A_640 = tpu.vector_load %arg13[%get3A_638, %get3A_639] {strides = array<i32>} : memref<512x64xf32, #tpu.memory_space<vmem>>, vector<1x16xf32>,
      %get3A_641 = vector.shape_cast %get3A_640 : vector<1x16xf32> to vector<16xf32>
      %mul3A_642 = arith.mulf %get3A_637, %get3A_641 : vector<16xf32>
      %get3A_643 = arith.index_cast %add3A_633 : i32 to index
      %get3A_644 = arith.constant 16 : index
      %get3A_645 = tpu.vector_load %arg12[%get3A_643, %get3A_644] {strides = array<i32>} : memref<512x64xf32, #tpu.memory_space<vmem>>, vector<1x16xf32>,
      %get3A_646 = vector.shape_cast %get3A_645 : vector<1x16xf32> to vector<16xf32>
      %get3A_647 = arith.index_cast %add3A_633 : i32 to index
      %get3A_648 = arith.constant 16 : index
      %get3A_649 = tpu.vector_load %arg13[%get3A_647, %get3A_648] {strides = array<i32>} : memref<512x64xf32, #tpu.memory_space<vmem>>, vector<1x16xf32>,
      %get3A_650 = vector.shape_cast %get3A_649 : vector<1x16xf32> to vector<16xf32>
      %mul3A_651 = arith.mulf %get3A_646, %get3A_650 : vector<16xf32>
      %add3A_652 = arith.addf %mul3A_642, %mul3A_651 : vector<16xf32>
      %get3A_653 = arith.index_cast %add3A_633 : i32 to index
      %get3A_654 = arith.constant 32 : index
      %get3A_655 = tpu.vector_load %arg12[%get3A_653, %get3A_654] {strides = array<i32>} : memref<512x64xf32, #tpu.memory_space<vmem>>, vector<1x16xf32>,
      %get3A_656 = vector.shape_cast %get3A_655 : vector<1x16xf32> to vector<16xf32>
      %get3A_657 = arith.index_cast %add3A_633 : i32 to index
      %get3A_658 = arith.constant 32 : index
      %get3A_659 = tpu.vector_load %arg13[%get3A_657, %get3A_658] {strides = array<i32>} : memref<512x64xf32, #tpu.memory_space<vmem>>, vector<1x16xf32>,
      %get3A_660 = vector.shape_cast %get3A_659 : vector<1x16xf32> to vector<16xf32>
      %mul3A_661 = arith.mulf %get3A_656, %get3A_660 : vector<16xf32>
      %add3A_662 = arith.addf %add3A_652, %mul3A_661 : vector<16xf32>
      %get3A_663 = arith.index_cast %add3A_633 : i32 to index
      %get3A_664 = arith.constant 48 : index
      %get3A_665 = tpu.vector_load %arg12[%get3A_663, %get3A_664] {strides = array<i32>} : memref<512x64xf32, #tpu.memory_space<vmem>>, vector<1x16xf32>,
      %get3A_666 = vector.shape_cast %get3A_665 : vector<1x16xf32> to vector<16xf32>
      %get3A_667 = arith.index_cast %add3A_633 : i32 to index
      %get3A_668 = arith.constant 48 : index
      %get3A_669 = tpu.vector_load %arg13[%get3A_667, %get3A_668] {strides = array<i32>} : memref<512x64xf32, #tpu.memory_space<vmem>>, vector<1x16xf32>,
      %get3A_670 = vector.shape_cast %get3A_669 : vector<1x16xf32> to vector<16xf32>
      %mul3A_671 = arith.mulf %get3A_666, %get3A_670 : vector<16xf32>
      %add3A_672 = arith.addf %add3A_662, %mul3A_671 : vector<16xf32>
      %add3A_673 = arith.constant 10 : i32
      %add3A_674 = arith.addi %mul3A_262, %add3A_673 : i32
      %get3A_675 = arith.index_cast %add3A_674 : i32 to index
      %get3A_676 = arith.constant 0 : index
      %get3A_677 = tpu.vector_load %arg12[%get3A_675, %get3A_676] {strides = array<i32>} : memref<512x64xf32, #tpu.memory_space<vmem>>, vector<1x16xf32>,
      %get3A_678 = vector.shape_cast %get3A_677 : vector<1x16xf32> to vector<16xf32>
      %get3A_679 = arith.index_cast %add3A_674 : i32 to index
      %get3A_680 = arith.constant 0 : index
      %get3A_681 = tpu.vector_load %arg13[%get3A_679, %get3A_680] {strides = array<i32>} : memref<512x64xf32, #tpu.memory_space<vmem>>, vector<1x16xf32>,
      %get3A_682 = vector.shape_cast %get3A_681 : vector<1x16xf32> to vector<16xf32>
      %mul3A_683 = arith.mulf %get3A_678, %get3A_682 : vector<16xf32>
      %get3A_684 = arith.index_cast %add3A_674 : i32 to index
      %get3A_685 = arith.constant 16 : index
      %get3A_686 = tpu.vector_load %arg12[%get3A_684, %get3A_685] {strides = array<i32>} : memref<512x64xf32, #tpu.memory_space<vmem>>, vector<1x16xf32>,
      %get3A_687 = vector.shape_cast %get3A_686 : vector<1x16xf32> to vector<16xf32>
      %get3A_688 = arith.index_cast %add3A_674 : i32 to index
      %get3A_689 = arith.constant 16 : index
      %get3A_690 = tpu.vector_load %arg13[%get3A_688, %get3A_689] {strides = array<i32>} : memref<512x64xf32, #tpu.memory_space<vmem>>, vector<1x16xf32>,
      %get3A_691 = vector.shape_cast %get3A_690 : vector<1x16xf32> to vector<16xf32>
      %mul3A_692 = arith.mulf %get3A_687, %get3A_691 : vector<16xf32>
      %add3A_693 = arith.addf %mul3A_683, %mul3A_692 : vector<16xf32>
      %get3A_694 = arith.index_cast %add3A_674 : i32 to index
      %get3A_695 = arith.constant 32 : index
      %get3A_696 = tpu.vector_load %arg12[%get3A_694, %get3A_695] {strides = array<i32>} : memref<512x64xf32, #tpu.memory_space<vmem>>, vector<1x16xf32>,
      %get3A_697 = vector.shape_cast %get3A_696 : vector<1x16xf32> to vector<16xf32>
      %get3A_698 = arith.index_cast %add3A_674 : i32 to index
      %get3A_699 = arith.constant 32 : index
      %get3A_700 = tpu.vector_load %arg13[%get3A_698, %get3A_699] {strides = array<i32>} : memref<512x64xf32, #tpu.memory_space<vmem>>, vector<1x16xf32>,
      %get3A_701 = vector.shape_cast %get3A_700 : vector<1x16xf32> to vector<16xf32>
      %mul3A_702 = arith.mulf %get3A_697, %get3A_701 : vector<16xf32>
      %add3A_703 = arith.addf %add3A_693, %mul3A_702 : vector<16xf32>
      %get3A_704 = arith.index_cast %add3A_674 : i32 to index
      %get3A_705 = arith.constant 48 : index
      %get3A_706 = tpu.vector_load %arg12[%get3A_704, %get3A_705] {strides = array<i32>} : memref<512x64xf32, #tpu.memory_space<vmem>>, vector<1x16xf32>,
      %get3A_707 = vector.shape_cast %get3A_706 : vector<1x16xf32> to vector<16xf32>
      %get3A_708 = arith.index_cast %add3A_674 : i32 to index
      %get3A_709 = arith.constant 48 : index
      %get3A_710 = tpu.vector_load %arg13[%get3A_708, %get3A_709] {strides = array<i32>} : memref<512x64xf32, #tpu.memory_space<vmem>>, vector<1x16xf32>,
      %get3A_711 = vector.shape_cast %get3A_710 : vector<1x16xf32> to vector<16xf32>
      %mul3A_712 = arith.mulf %get3A_707, %get3A_711 : vector<16xf32>
      %add3A_713 = arith.addf %add3A_703, %mul3A_712 : vector<16xf32>
      %add3A_714 = arith.constant 11 : i32
      %add3A_715 = arith.addi %mul3A_262, %add3A_714 : i32
      %get3A_716 = arith.index_cast %add3A_715 : i32 to index
      %get3A_717 = arith.constant 0 : index
      %get3A_718 = tpu.vector_load %arg12[%get3A_716, %get3A_717] {strides = array<i32>} : memref<512x64xf32, #tpu.memory_space<vmem>>, vector<1x16xf32>,
      %get3A_719 = vector.shape_cast %get3A_718 : vector<1x16xf32> to vector<16xf32>
      %get3A_720 = arith.index_cast %add3A_715 : i32 to index
      %get3A_721 = arith.constant 0 : index
      %get3A_722 = tpu.vector_load %arg13[%get3A_720, %get3A_721] {strides = array<i32>} : memref<512x64xf32, #tpu.memory_space<vmem>>, vector<1x16xf32>,
      %get3A_723 = vector.shape_cast %get3A_722 : vector<1x16xf32> to vector<16xf32>
      %mul3A_724 = arith.mulf %get3A_719, %get3A_723 : vector<16xf32>
      %get3A_725 = arith.index_cast %add3A_715 : i32 to index
      %get3A_726 = arith.constant 16 : index
      %get3A_727 = tpu.vector_load %arg12[%get3A_725, %get3A_726] {strides = array<i32>} : memref<512x64xf32, #tpu.memory_space<vmem>>, vector<1x16xf32>,
      %get3A_728 = vector.shape_cast %get3A_727 : vector<1x16xf32> to vector<16xf32>
      %get3A_729 = arith.index_cast %add3A_715 : i32 to index
      %get3A_730 = arith.constant 16 : index
      %get3A_731 = tpu.vector_load %arg13[%get3A_729, %get3A_730] {strides = array<i32>} : memref<512x64xf32, #tpu.memory_space<vmem>>, vector<1x16xf32>,
      %get3A_732 = vector.shape_cast %get3A_731 : vector<1x16xf32> to vector<16xf32>
      %mul3A_733 = arith.mulf %get3A_728, %get3A_732 : vector<16xf32>
      %add3A_734 = arith.addf %mul3A_724, %mul3A_733 : vector<16xf32>
      %get3A_735 = arith.index_cast %add3A_715 : i32 to index
      %get3A_736 = arith.constant 32 : index
      %get3A_737 = tpu.vector_load %arg12[%get3A_735, %get3A_736] {strides = array<i32>} : memref<512x64xf32, #tpu.memory_space<vmem>>, vector<1x16xf32>,
      %get3A_738 = vector.shape_cast %get3A_737 : vector<1x16xf32> to vector<16xf32>
      %get3A_739 = arith.index_cast %add3A_715 : i32 to index
      %get3A_740 = arith.constant 32 : index
      %get3A_741 = tpu.vector_load %arg13[%get3A_739, %get3A_740] {strides = array<i32>} : memref<512x64xf32, #tpu.memory_space<vmem>>, vector<1x16xf32>,
      %get3A_742 = vector.shape_cast %get3A_741 : vector<1x16xf32> to vector<16xf32>
      %mul3A_743 = arith.mulf %get3A_738, %get3A_742 : vector<16xf32>
      %add3A_744 = arith.addf %add3A_734, %mul3A_743 : vector<16xf32>
      %get3A_745 = arith.index_cast %add3A_715 : i32 to index
      %get3A_746 = arith.constant 48 : index
      %get3A_747 = tpu.vector_load %arg12[%get3A_745, %get3A_746] {strides = array<i32>} : memref<512x64xf32, #tpu.memory_space<vmem>>, vector<1x16xf32>,
      %get3A_748 = vector.shape_cast %get3A_747 : vector<1x16xf32> to vector<16xf32>
      %get3A_749 = arith.index_cast %add3A_715 : i32 to index
      %get3A_750 = arith.constant 48 : index
      %get3A_751 = tpu.vector_load %arg13[%get3A_749, %get3A_750] {strides = array<i32>} : memref<512x64xf32, #tpu.memory_space<vmem>>, vector<1x16xf32>,
      %get3A_752 = vector.shape_cast %get3A_751 : vector<1x16xf32> to vector<16xf32>
      %mul3A_753 = arith.mulf %get3A_748, %get3A_752 : vector<16xf32>
      %add3A_754 = arith.addf %add3A_744, %mul3A_753 : vector<16xf32>
      %add3A_755 = arith.constant 12 : i32
      %add3A_756 = arith.addi %mul3A_262, %add3A_755 : i32
      %get3A_757 = arith.index_cast %add3A_756 : i32 to index
      %get3A_758 = arith.constant 0 : index
      %get3A_759 = tpu.vector_load %arg12[%get3A_757, %get3A_758] {strides = array<i32>} : memref<512x64xf32, #tpu.memory_space<vmem>>, vector<1x16xf32>,
      %get3A_760 = vector.shape_cast %get3A_759 : vector<1x16xf32> to vector<16xf32>
      %get3A_761 = arith.index_cast %add3A_756 : i32 to index
      %get3A_762 = arith.constant 0 : index
      %get3A_763 = tpu.vector_load %arg13[%get3A_761, %get3A_762] {strides = array<i32>} : memref<512x64xf32, #tpu.memory_space<vmem>>, vector<1x16xf32>,
      %get3A_764 = vector.shape_cast %get3A_763 : vector<1x16xf32> to vector<16xf32>
      %mul3A_765 = arith.mulf %get3A_760, %get3A_764 : vector<16xf32>
      %get3A_766 = arith.index_cast %add3A_756 : i32 to index
      %get3A_767 = arith.constant 16 : index
      %get3A_768 = tpu.vector_load %arg12[%get3A_766, %get3A_767] {strides = array<i32>} : memref<512x64xf32, #tpu.memory_space<vmem>>, vector<1x16xf32>,
      %get3A_769 = vector.shape_cast %get3A_768 : vector<1x16xf32> to vector<16xf32>
      %get3A_770 = arith.index_cast %add3A_756 : i32 to index
      %get3A_771 = arith.constant 16 : index
      %get3A_772 = tpu.vector_load %arg13[%get3A_770, %get3A_771] {strides = array<i32>} : memref<512x64xf32, #tpu.memory_space<vmem>>, vector<1x16xf32>,
      %get3A_773 = vector.shape_cast %get3A_772 : vector<1x16xf32> to vector<16xf32>
      %mul3A_774 = arith.mulf %get3A_769, %get3A_773 : vector<16xf32>
      %add3A_775 = arith.addf %mul3A_765, %mul3A_774 : vector<16xf32>
      %get3A_776 = arith.index_cast %add3A_756 : i32 to index
      %get3A_777 = arith.constant 32 : index
      %get3A_778 = tpu.vector_load %arg12[%get3A_776, %get3A_777] {strides = array<i32>} : memref<512x64xf32, #tpu.memory_space<vmem>>, vector<1x16xf32>,
      %get3A_779 = vector.shape_cast %get3A_778 : vector<1x16xf32> to vector<16xf32>
      %get3A_780 = arith.index_cast %add3A_756 : i32 to index
      %get3A_781 = arith.constant 32 : index
      %get3A_782 = tpu.vector_load %arg13[%get3A_780, %get3A_781] {strides = array<i32>} : memref<512x64xf32, #tpu.memory_space<vmem>>, vector<1x16xf32>,
      %get3A_783 = vector.shape_cast %get3A_782 : vector<1x16xf32> to vector<16xf32>
      %mul3A_784 = arith.mulf %get3A_779, %get3A_783 : vector<16xf32>
      %add3A_785 = arith.addf %add3A_775, %mul3A_784 : vector<16xf32>
      %get3A_786 = arith.index_cast %add3A_756 : i32 to index
      %get3A_787 = arith.constant 48 : index
      %get3A_788 = tpu.vector_load %arg12[%get3A_786, %get3A_787] {strides = array<i32>} : memref<512x64xf32, #tpu.memory_space<vmem>>, vector<1x16xf32>,
      %get3A_789 = vector.shape_cast %get3A_788 : vector<1x16xf32> to vector<16xf32>
      %get3A_790 = arith.index_cast %add3A_756 : i32 to index
      %get3A_791 = arith.constant 48 : index
      %get3A_792 = tpu.vector_load %arg13[%get3A_790, %get3A_791] {strides = array<i32>} : memref<512x64xf32, #tpu.memory_space<vmem>>, vector<1x16xf32>,
      %get3A_793 = vector.shape_cast %get3A_792 : vector<1x16xf32> to vector<16xf32>
      %mul3A_794 = arith.mulf %get3A_789, %get3A_793 : vector<16xf32>
      %add3A_795 = arith.addf %add3A_785, %mul3A_794 : vector<16xf32>
      %add3A_796 = arith.constant 13 : i32
      %add3A_797 = arith.addi %mul3A_262, %add3A_796 : i32
      %get3A_798 = arith.index_cast %add3A_797 : i32 to index
      %get3A_799 = arith.constant 0 : index
      %get3A_800 = tpu.vector_load %arg12[%get3A_798, %get3A_799] {strides = array<i32>} : memref<512x64xf32, #tpu.memory_space<vmem>>, vector<1x16xf32>,
      %get3A_801 = vector.shape_cast %get3A_800 : vector<1x16xf32> to vector<16xf32>
      %get3A_802 = arith.index_cast %add3A_797 : i32 to index
      %get3A_803 = arith.constant 0 : index
      %get3A_804 = tpu.vector_load %arg13[%get3A_802, %get3A_803] {strides = array<i32>} : memref<512x64xf32, #tpu.memory_space<vmem>>, vector<1x16xf32>,
      %get3A_805 = vector.shape_cast %get3A_804 : vector<1x16xf32> to vector<16xf32>
      %mul3A_806 = arith.mulf %get3A_801, %get3A_805 : vector<16xf32>
      %get3A_807 = arith.index_cast %add3A_797 : i32 to index
      %get3A_808 = arith.constant 16 : index
      %get3A_809 = tpu.vector_load %arg12[%get3A_807, %get3A_808] {strides = array<i32>} : memref<512x64xf32, #tpu.memory_space<vmem>>, vector<1x16xf32>,
      %get3A_810 = vector.shape_cast %get3A_809 : vector<1x16xf32> to vector<16xf32>
      %get3A_811 = arith.index_cast %add3A_797 : i32 to index
      %get3A_812 = arith.constant 16 : index
      %get3A_813 = tpu.vector_load %arg13[%get3A_811, %get3A_812] {strides = array<i32>} : memref<512x64xf32, #tpu.memory_space<vmem>>, vector<1x16xf32>,
      %get3A_814 = vector.shape_cast %get3A_813 : vector<1x16xf32> to vector<16xf32>
      %mul3A_815 = arith.mulf %get3A_810, %get3A_814 : vector<16xf32>
      %add3A_816 = arith.addf %mul3A_806, %mul3A_815 : vector<16xf32>
      %get3A_817 = arith.index_cast %add3A_797 : i32 to index
      %get3A_818 = arith.constant 32 : index
      %get3A_819 = tpu.vector_load %arg12[%get3A_817, %get3A_818] {strides = array<i32>} : memref<512x64xf32, #tpu.memory_space<vmem>>, vector<1x16xf32>,
      %get3A_820 = vector.shape_cast %get3A_819 : vector<1x16xf32> to vector<16xf32>
      %get3A_821 = arith.index_cast %add3A_797 : i32 to index
      %get3A_822 = arith.constant 32 : index
      %get3A_823 = tpu.vector_load %arg13[%get3A_821, %get3A_822] {strides = array<i32>} : memref<512x64xf32, #tpu.memory_space<vmem>>, vector<1x16xf32>,
      %get3A_824 = vector.shape_cast %get3A_823 : vector<1x16xf32> to vector<16xf32>
      %mul3A_825 = arith.mulf %get3A_820, %get3A_824 : vector<16xf32>
      %add3A_826 = arith.addf %add3A_816, %mul3A_825 : vector<16xf32>
      %get3A_827 = arith.index_cast %add3A_797 : i32 to index
      %get3A_828 = arith.constant 48 : index
      %get3A_829 = tpu.vector_load %arg12[%get3A_827, %get3A_828] {strides = array<i32>} : memref<512x64xf32, #tpu.memory_space<vmem>>, vector<1x16xf32>,
      %get3A_830 = vector.shape_cast %get3A_829 : vector<1x16xf32> to vector<16xf32>
      %get3A_831 = arith.index_cast %add3A_797 : i32 to index
      %get3A_832 = arith.constant 48 : index
      %get3A_833 = tpu.vector_load %arg13[%get3A_831, %get3A_832] {strides = array<i32>} : memref<512x64xf32, #tpu.memory_space<vmem>>, vector<1x16xf32>,
      %get3A_834 = vector.shape_cast %get3A_833 : vector<1x16xf32> to vector<16xf32>
      %mul3A_835 = arith.mulf %get3A_830, %get3A_834 : vector<16xf32>
      %add3A_836 = arith.addf %add3A_826, %mul3A_835 : vector<16xf32>
      %add3A_837 = arith.constant 14 : i32
      %add3A_838 = arith.addi %mul3A_262, %add3A_837 : i32
      %get3A_839 = arith.index_cast %add3A_838 : i32 to index
      %get3A_840 = arith.constant 0 : index
      %get3A_841 = tpu.vector_load %arg12[%get3A_839, %get3A_840] {strides = array<i32>} : memref<512x64xf32, #tpu.memory_space<vmem>>, vector<1x16xf32>,
      %get3A_842 = vector.shape_cast %get3A_841 : vector<1x16xf32> to vector<16xf32>
      %get3A_843 = arith.index_cast %add3A_838 : i32 to index
      %get3A_844 = arith.constant 0 : index
      %get3A_845 = tpu.vector_load %arg13[%get3A_843, %get3A_844] {strides = array<i32>} : memref<512x64xf32, #tpu.memory_space<vmem>>, vector<1x16xf32>,
      %get3A_846 = vector.shape_cast %get3A_845 : vector<1x16xf32> to vector<16xf32>
      %mul3A_847 = arith.mulf %get3A_842, %get3A_846 : vector<16xf32>
      %get3A_848 = arith.index_cast %add3A_838 : i32 to index
      %get3A_849 = arith.constant 16 : index
      %get3A_850 = tpu.vector_load %arg12[%get3A_848, %get3A_849] {strides = array<i32>} : memref<512x64xf32, #tpu.memory_space<vmem>>, vector<1x16xf32>,
      %get3A_851 = vector.shape_cast %get3A_850 : vector<1x16xf32> to vector<16xf32>
      %get3A_852 = arith.index_cast %add3A_838 : i32 to index
      %get3A_853 = arith.constant 16 : index
      %get3A_854 = tpu.vector_load %arg13[%get3A_852, %get3A_853] {strides = array<i32>} : memref<512x64xf32, #tpu.memory_space<vmem>>, vector<1x16xf32>,
      %get3A_855 = vector.shape_cast %get3A_854 : vector<1x16xf32> to vector<16xf32>
      %mul3A_856 = arith.mulf %get3A_851, %get3A_855 : vector<16xf32>
      %add3A_857 = arith.addf %mul3A_847, %mul3A_856 : vector<16xf32>
      %get3A_858 = arith.index_cast %add3A_838 : i32 to index
      %get3A_859 = arith.constant 32 : index
      %get3A_860 = tpu.vector_load %arg12[%get3A_858, %get3A_859] {strides = array<i32>} : memref<512x64xf32, #tpu.memory_space<vmem>>, vector<1x16xf32>,
      %get3A_861 = vector.shape_cast %get3A_860 : vector<1x16xf32> to vector<16xf32>
      %get3A_862 = arith.index_cast %add3A_838 : i32 to index
      %get3A_863 = arith.constant 32 : index
      %get3A_864 = tpu.vector_load %arg13[%get3A_862, %get3A_863] {strides = array<i32>} : memref<512x64xf32, #tpu.memory_space<vmem>>, vector<1x16xf32>,
      %get3A_865 = vector.shape_cast %get3A_864 : vector<1x16xf32> to vector<16xf32>
      %mul3A_866 = arith.mulf %get3A_861, %get3A_865 : vector<16xf32>
      %add3A_867 = arith.addf %add3A_857, %mul3A_866 : vector<16xf32>
      %get3A_868 = arith.index_cast %add3A_838 : i32 to index
      %get3A_869 = arith.constant 48 : index
      %get3A_870 = tpu.vector_load %arg12[%get3A_868, %get3A_869] {strides = array<i32>} : memref<512x64xf32, #tpu.memory_space<vmem>>, vector<1x16xf32>,
      %get3A_871 = vector.shape_cast %get3A_870 : vector<1x16xf32> to vector<16xf32>
      %get3A_872 = arith.index_cast %add3A_838 : i32 to index
      %get3A_873 = arith.constant 48 : index
      %get3A_874 = tpu.vector_load %arg13[%get3A_872, %get3A_873] {strides = array<i32>} : memref<512x64xf32, #tpu.memory_space<vmem>>, vector<1x16xf32>,
      %get3A_875 = vector.shape_cast %get3A_874 : vector<1x16xf32> to vector<16xf32>
      %mul3A_876 = arith.mulf %get3A_871, %get3A_875 : vector<16xf32>
      %add3A_877 = arith.addf %add3A_867, %mul3A_876 : vector<16xf32>
      %add3A_878 = arith.constant 15 : i32
      %add3A_879 = arith.addi %mul3A_262, %add3A_878 : i32
      %get3A_880 = arith.index_cast %add3A_879 : i32 to index
      %get3A_881 = arith.constant 0 : index
      %get3A_882 = tpu.vector_load %arg12[%get3A_880, %get3A_881] {strides = array<i32>} : memref<512x64xf32, #tpu.memory_space<vmem>>, vector<1x16xf32>,
      %get3A_883 = vector.shape_cast %get3A_882 : vector<1x16xf32> to vector<16xf32>
      %get3A_884 = arith.index_cast %add3A_879 : i32 to index
      %get3A_885 = arith.constant 0 : index
      %get3A_886 = tpu.vector_load %arg13[%get3A_884, %get3A_885] {strides = array<i32>} : memref<512x64xf32, #tpu.memory_space<vmem>>, vector<1x16xf32>,
      %get3A_887 = vector.shape_cast %get3A_886 : vector<1x16xf32> to vector<16xf32>
      %mul3A_888 = arith.mulf %get3A_883, %get3A_887 : vector<16xf32>
      %get3A_889 = arith.index_cast %add3A_879 : i32 to index
      %get3A_890 = arith.constant 16 : index
      %get3A_891 = tpu.vector_load %arg12[%get3A_889, %get3A_890] {strides = array<i32>} : memref<512x64xf32, #tpu.memory_space<vmem>>, vector<1x16xf32>,
      %get3A_892 = vector.shape_cast %get3A_891 : vector<1x16xf32> to vector<16xf32>
      %get3A_893 = arith.index_cast %add3A_879 : i32 to index
      %get3A_894 = arith.constant 16 : index
      %get3A_895 = tpu.vector_load %arg13[%get3A_893, %get3A_894] {strides = array<i32>} : memref<512x64xf32, #tpu.memory_space<vmem>>, vector<1x16xf32>,
      %get3A_896 = vector.shape_cast %get3A_895 : vector<1x16xf32> to vector<16xf32>
      %mul3A_897 = arith.mulf %get3A_892, %get3A_896 : vector<16xf32>
      %add3A_898 = arith.addf %mul3A_888, %mul3A_897 : vector<16xf32>
      %get3A_899 = arith.index_cast %add3A_879 : i32 to index
      %get3A_900 = arith.constant 32 : index
      %get3A_901 = tpu.vector_load %arg12[%get3A_899, %get3A_900] {strides = array<i32>} : memref<512x64xf32, #tpu.memory_space<vmem>>, vector<1x16xf32>,
      %get3A_902 = vector.shape_cast %get3A_901 : vector<1x16xf32> to vector<16xf32>
      %get3A_903 = arith.index_cast %add3A_879 : i32 to index
      %get3A_904 = arith.constant 32 : index
      %get3A_905 = tpu.vector_load %arg13[%get3A_903, %get3A_904] {strides = array<i32>} : memref<512x64xf32, #tpu.memory_space<vmem>>, vector<1x16xf32>,
      %get3A_906 = vector.shape_cast %get3A_905 : vector<1x16xf32> to vector<16xf32>
      %mul3A_907 = arith.mulf %get3A_902, %get3A_906 : vector<16xf32>
      %add3A_908 = arith.addf %add3A_898, %mul3A_907 : vector<16xf32>
      %get3A_909 = arith.index_cast %add3A_879 : i32 to index
      %get3A_910 = arith.constant 48 : index
      %get3A_911 = tpu.vector_load %arg12[%get3A_909, %get3A_910] {strides = array<i32>} : memref<512x64xf32, #tpu.memory_space<vmem>>, vector<1x16xf32>,
      %get3A_912 = vector.shape_cast %get3A_911 : vector<1x16xf32> to vector<16xf32>
      %get3A_913 = arith.index_cast %add3A_879 : i32 to index
      %get3A_914 = arith.constant 48 : index
      %get3A_915 = tpu.vector_load %arg13[%get3A_913, %get3A_914] {strides = array<i32>} : memref<512x64xf32, #tpu.memory_space<vmem>>, vector<1x16xf32>,
      %get3A_916 = vector.shape_cast %get3A_915 : vector<1x16xf32> to vector<16xf32>
      %mul3A_917 = arith.mulf %get3A_912, %get3A_916 : vector<16xf32>
      %add3A_918 = arith.addf %add3A_908, %mul3A_917 : vector<16xf32>
      %lt3A_919 = arith.constant 0 : i32
      %lt3A_920 = vector.broadcast %lt3A_919 : i32 to vector<16xi32>
      %lt3A_921 = arith.cmpi slt, %select_n3A_247, %lt3A_920 : vector<16xi32>
      %add3A_922 = arith.constant 16 : i32
      %add3A_923 = vector.broadcast %add3A_922 : i32 to vector<16xi32>
      %add3A_924 = arith.addi %select_n3A_247, %add3A_923 : vector<16xi32>
      %select_n3A_925 = arith.select %lt3A_921, %add3A_924, %select_n3A_247 : vector<16xi1>, vector<16xi32>
      %broadcast_in_dim3A = vector.shape_cast %select_n3A_925 : vector<16xi32> to vector<16x1xi32>
      %gather3A = vector.shape_cast %broadcast_in_dim3A : vector<16x1xi32> to vector<16xi32>
      %gather3A_926 = tpu.dynamic_gather %add3A_303[%gather3A] in [0] : vector<16xf32>, vector<16xi32> -> vector<16xf32>
      %lt3A_927 = arith.constant 0 : i32
      %lt3A_928 = vector.broadcast %lt3A_927 : i32 to vector<16xi32>
      %lt3A_929 = arith.cmpi slt, %add3A_250, %lt3A_928 : vector<16xi32>
      %add3A_930 = arith.constant 16 : i32
      %add3A_931 = vector.broadcast %add3A_930 : i32 to vector<16xi32>
      %add3A_932 = arith.addi %add3A_250, %add3A_931 : vector<16xi32>
      %select_n3A_933 = arith.select %lt3A_929, %add3A_932, %add3A_250 : vector<16xi1>, vector<16xi32>
      %broadcast_in_dim3A_934 = vector.shape_cast %select_n3A_933 : vector<16xi32> to vector<16x1xi32>
      %gather3A_935 = vector.shape_cast %broadcast_in_dim3A_934 : vector<16x1xi32> to vector<16xi32>
      %gather3A_936 = tpu.dynamic_gather %add3A_303[%gather3A_935] in [0] : vector<16xf32>, vector<16xi32> -> vector<16xf32>
      %add3A_937 = arith.addf %gather3A_926, %gather3A_936 : vector<16xf32>
      %lt3A_938 = arith.constant 0 : i32
      %lt3A_939 = vector.broadcast %lt3A_938 : i32 to vector<16xi32>
      %lt3A_940 = arith.cmpi slt, %select_n3A_247, %lt3A_939 : vector<16xi32>
      %add3A_941 = arith.constant 16 : i32
      %add3A_942 = vector.broadcast %add3A_941 : i32 to vector<16xi32>
      %add3A_943 = arith.addi %select_n3A_247, %add3A_942 : vector<16xi32>
      %select_n3A_944 = arith.select %lt3A_940, %add3A_943, %select_n3A_247 : vector<16xi1>, vector<16xi32>
      %broadcast_in_dim3A_945 = vector.shape_cast %select_n3A_944 : vector<16xi32> to vector<16x1xi32>
      %gather3A_946 = vector.shape_cast %broadcast_in_dim3A_945 : vector<16x1xi32> to vector<16xi32>
      %gather3A_947 = tpu.dynamic_gather %add3A_344[%gather3A_946] in [0] : vector<16xf32>, vector<16xi32> -> vector<16xf32>
      %lt3A_948 = arith.constant 0 : i32
      %lt3A_949 = vector.broadcast %lt3A_948 : i32 to vector<16xi32>
      %lt3A_950 = arith.cmpi slt, %add3A_250, %lt3A_949 : vector<16xi32>
      %add3A_951 = arith.constant 16 : i32
      %add3A_952 = vector.broadcast %add3A_951 : i32 to vector<16xi32>
      %add3A_953 = arith.addi %add3A_250, %add3A_952 : vector<16xi32>
      %select_n3A_954 = arith.select %lt3A_950, %add3A_953, %add3A_250 : vector<16xi1>, vector<16xi32>
      %broadcast_in_dim3A_955 = vector.shape_cast %select_n3A_954 : vector<16xi32> to vector<16x1xi32>
      %gather3A_956 = vector.shape_cast %broadcast_in_dim3A_955 : vector<16x1xi32> to vector<16xi32>
      %gather3A_957 = tpu.dynamic_gather %add3A_344[%gather3A_956] in [0] : vector<16xf32>, vector<16xi32> -> vector<16xf32>
      %add3A_958 = arith.addf %gather3A_947, %gather3A_957 : vector<16xf32>
      %select_n3A_959 = arith.select %lt3A_254, %add3A_937, %add3A_958 : vector<16xi1>, vector<16xf32>
      %lt3A_960 = arith.constant 0 : i32
      %lt3A_961 = vector.broadcast %lt3A_960 : i32 to vector<16xi32>
      %lt3A_962 = arith.cmpi slt, %select_n3A_247, %lt3A_961 : vector<16xi32>
      %add3A_963 = arith.constant 16 : i32
      %add3A_964 = vector.broadcast %add3A_963 : i32 to vector<16xi32>
      %add3A_965 = arith.addi %select_n3A_247, %add3A_964 : vector<16xi32>
      %select_n3A_966 = arith.select %lt3A_962, %add3A_965, %select_n3A_247 : vector<16xi1>, vector<16xi32>
      %broadcast_in_dim3A_967 = vector.shape_cast %select_n3A_966 : vector<16xi32> to vector<16x1xi32>
      %gather3A_968 = vector.shape_cast %broadcast_in_dim3A_967 : vector<16x1xi32> to vector<16xi32>
      %gather3A_969 = tpu.dynamic_gather %add3A_385[%gather3A_968] in [0] : vector<16xf32>, vector<16xi32> -> vector<16xf32>
      %lt3A_970 = arith.constant 0 : i32
      %lt3A_971 = vector.broadcast %lt3A_970 : i32 to vector<16xi32>
      %lt3A_972 = arith.cmpi slt, %add3A_250, %lt3A_971 : vector<16xi32>
      %add3A_973 = arith.constant 16 : i32
      %add3A_974 = vector.broadcast %add3A_973 : i32 to vector<16xi32>
      %add3A_975 = arith.addi %add3A_250, %add3A_974 : vector<16xi32>
      %select_n3A_976 = arith.select %lt3A_972, %add3A_975, %add3A_250 : vector<16xi1>, vector<16xi32>
      %broadcast_in_dim3A_977 = vector.shape_cast %select_n3A_976 : vector<16xi32> to vector<16x1xi32>
      %gather3A_978 = vector.shape_cast %broadcast_in_dim3A_977 : vector<16x1xi32> to vector<16xi32>
      %gather3A_979 = tpu.dynamic_gather %add3A_385[%gather3A_978] in [0] : vector<16xf32>, vector<16xi32> -> vector<16xf32>
      %add3A_980 = arith.addf %gather3A_969, %gather3A_979 : vector<16xf32>
      %lt3A_981 = arith.constant 0 : i32
      %lt3A_982 = vector.broadcast %lt3A_981 : i32 to vector<16xi32>
      %lt3A_983 = arith.cmpi slt, %select_n3A_247, %lt3A_982 : vector<16xi32>
      %add3A_984 = arith.constant 16 : i32
      %add3A_985 = vector.broadcast %add3A_984 : i32 to vector<16xi32>
      %add3A_986 = arith.addi %select_n3A_247, %add3A_985 : vector<16xi32>
      %select_n3A_987 = arith.select %lt3A_983, %add3A_986, %select_n3A_247 : vector<16xi1>, vector<16xi32>
      %broadcast_in_dim3A_988 = vector.shape_cast %select_n3A_987 : vector<16xi32> to vector<16x1xi32>
      %gather3A_989 = vector.shape_cast %broadcast_in_dim3A_988 : vector<16x1xi32> to vector<16xi32>
      %gather3A_990 = tpu.dynamic_gather %add3A_426[%gather3A_989] in [0] : vector<16xf32>, vector<16xi32> -> vector<16xf32>
      %lt3A_991 = arith.constant 0 : i32
      %lt3A_992 = vector.broadcast %lt3A_991 : i32 to vector<16xi32>
      %lt3A_993 = arith.cmpi slt, %add3A_250, %lt3A_992 : vector<16xi32>
      %add3A_994 = arith.constant 16 : i32
      %add3A_995 = vector.broadcast %add3A_994 : i32 to vector<16xi32>
      %add3A_996 = arith.addi %add3A_250, %add3A_995 : vector<16xi32>
      %select_n3A_997 = arith.select %lt3A_993, %add3A_996, %add3A_250 : vector<16xi1>, vector<16xi32>
      %broadcast_in_dim3A_998 = vector.shape_cast %select_n3A_997 : vector<16xi32> to vector<16x1xi32>
      %gather3A_999 = vector.shape_cast %broadcast_in_dim3A_998 : vector<16x1xi32> to vector<16xi32>
      %gather3A_1000 = tpu.dynamic_gather %add3A_426[%gather3A_999] in [0] : vector<16xf32>, vector<16xi32> -> vector<16xf32>
      %add3A_1001 = arith.addf %gather3A_990, %gather3A_1000 : vector<16xf32>
      %select_n3A_1002 = arith.select %lt3A_254, %add3A_980, %add3A_1001 : vector<16xi1>, vector<16xf32>
      %lt3A_1003 = arith.constant 0 : i32
      %lt3A_1004 = vector.broadcast %lt3A_1003 : i32 to vector<16xi32>
      %lt3A_1005 = arith.cmpi slt, %select_n3A_247, %lt3A_1004 : vector<16xi32>
      %add3A_1006 = arith.constant 16 : i32
      %add3A_1007 = vector.broadcast %add3A_1006 : i32 to vector<16xi32>
      %add3A_1008 = arith.addi %select_n3A_247, %add3A_1007 : vector<16xi32>
      %select_n3A_1009 = arith.select %lt3A_1005, %add3A_1008, %select_n3A_247 : vector<16xi1>, vector<16xi32>
      %broadcast_in_dim3A_1010 = vector.shape_cast %select_n3A_1009 : vector<16xi32> to vector<16x1xi32>
      %gather3A_1011 = vector.shape_cast %broadcast_in_dim3A_1010 : vector<16x1xi32> to vector<16xi32>
      %gather3A_1012 = tpu.dynamic_gather %add3A_467[%gather3A_1011] in [0] : vector<16xf32>, vector<16xi32> -> vector<16xf32>
      %lt3A_1013 = arith.constant 0 : i32
      %lt3A_1014 = vector.broadcast %lt3A_1013 : i32 to vector<16xi32>
      %lt3A_1015 = arith.cmpi slt, %add3A_250, %lt3A_1014 : vector<16xi32>
      %add3A_1016 = arith.constant 16 : i32
      %add3A_1017 = vector.broadcast %add3A_1016 : i32 to vector<16xi32>
      %add3A_1018 = arith.addi %add3A_250, %add3A_1017 : vector<16xi32>
      %select_n3A_1019 = arith.select %lt3A_1015, %add3A_1018, %add3A_250 : vector<16xi1>, vector<16xi32>
      %broadcast_in_dim3A_1020 = vector.shape_cast %select_n3A_1019 : vector<16xi32> to vector<16x1xi32>
      %gather3A_1021 = vector.shape_cast %broadcast_in_dim3A_1020 : vector<16x1xi32> to vector<16xi32>
      %gather3A_1022 = tpu.dynamic_gather %add3A_467[%gather3A_1021] in [0] : vector<16xf32>, vector<16xi32> -> vector<16xf32>
      %add3A_1023 = arith.addf %gather3A_1012, %gather3A_1022 : vector<16xf32>
      %lt3A_1024 = arith.constant 0 : i32
      %lt3A_1025 = vector.broadcast %lt3A_1024 : i32 to vector<16xi32>
      %lt3A_1026 = arith.cmpi slt, %select_n3A_247, %lt3A_1025 : vector<16xi32>
      %add3A_1027 = arith.constant 16 : i32
      %add3A_1028 = vector.broadcast %add3A_1027 : i32 to vector<16xi32>
      %add3A_1029 = arith.addi %select_n3A_247, %add3A_1028 : vector<16xi32>
      %select_n3A_1030 = arith.select %lt3A_1026, %add3A_1029, %select_n3A_247 : vector<16xi1>, vector<16xi32>
      %broadcast_in_dim3A_1031 = vector.shape_cast %select_n3A_1030 : vector<16xi32> to vector<16x1xi32>
      %gather3A_1032 = vector.shape_cast %broadcast_in_dim3A_1031 : vector<16x1xi32> to vector<16xi32>
      %gather3A_1033 = tpu.dynamic_gather %add3A_508[%gather3A_1032] in [0] : vector<16xf32>, vector<16xi32> -> vector<16xf32>
      %lt3A_1034 = arith.constant 0 : i32
      %lt3A_1035 = vector.broadcast %lt3A_1034 : i32 to vector<16xi32>
      %lt3A_1036 = arith.cmpi slt, %add3A_250, %lt3A_1035 : vector<16xi32>
      %add3A_1037 = arith.constant 16 : i32
      %add3A_1038 = vector.broadcast %add3A_1037 : i32 to vector<16xi32>
      %add3A_1039 = arith.addi %add3A_250, %add3A_1038 : vector<16xi32>
      %select_n3A_1040 = arith.select %lt3A_1036, %add3A_1039, %add3A_250 : vector<16xi1>, vector<16xi32>
      %broadcast_in_dim3A_1041 = vector.shape_cast %select_n3A_1040 : vector<16xi32> to vector<16x1xi32>
      %gather3A_1042 = vector.shape_cast %broadcast_in_dim3A_1041 : vector<16x1xi32> to vector<16xi32>
      %gather3A_1043 = tpu.dynamic_gather %add3A_508[%gather3A_1042] in [0] : vector<16xf32>, vector<16xi32> -> vector<16xf32>
      %add3A_1044 = arith.addf %gather3A_1033, %gather3A_1043 : vector<16xf32>
      %select_n3A_1045 = arith.select %lt3A_254, %add3A_1023, %add3A_1044 : vector<16xi1>, vector<16xf32>
      %lt3A_1046 = arith.constant 0 : i32
      %lt3A_1047 = vector.broadcast %lt3A_1046 : i32 to vector<16xi32>
      %lt3A_1048 = arith.cmpi slt, %select_n3A_247, %lt3A_1047 : vector<16xi32>
      %add3A_1049 = arith.constant 16 : i32
      %add3A_1050 = vector.broadcast %add3A_1049 : i32 to vector<16xi32>
      %add3A_1051 = arith.addi %select_n3A_247, %add3A_1050 : vector<16xi32>
      %select_n3A_1052 = arith.select %lt3A_1048, %add3A_1051, %select_n3A_247 : vector<16xi1>, vector<16xi32>
      %broadcast_in_dim3A_1053 = vector.shape_cast %select_n3A_1052 : vector<16xi32> to vector<16x1xi32>
      %gather3A_1054 = vector.shape_cast %broadcast_in_dim3A_1053 : vector<16x1xi32> to vector<16xi32>
      %gather3A_1055 = tpu.dynamic_gather %add3A_549[%gather3A_1054] in [0] : vector<16xf32>, vector<16xi32> -> vector<16xf32>
      %lt3A_1056 = arith.constant 0 : i32
      %lt3A_1057 = vector.broadcast %lt3A_1056 : i32 to vector<16xi32>
      %lt3A_1058 = arith.cmpi slt, %add3A_250, %lt3A_1057 : vector<16xi32>
      %add3A_1059 = arith.constant 16 : i32
      %add3A_1060 = vector.broadcast %add3A_1059 : i32 to vector<16xi32>
      %add3A_1061 = arith.addi %add3A_250, %add3A_1060 : vector<16xi32>
      %select_n3A_1062 = arith.select %lt3A_1058, %add3A_1061, %add3A_250 : vector<16xi1>, vector<16xi32>
      %broadcast_in_dim3A_1063 = vector.shape_cast %select_n3A_1062 : vector<16xi32> to vector<16x1xi32>
      %gather3A_1064 = vector.shape_cast %broadcast_in_dim3A_1063 : vector<16x1xi32> to vector<16xi32>
      %gather3A_1065 = tpu.dynamic_gather %add3A_549[%gather3A_1064] in [0] : vector<16xf32>, vector<16xi32> -> vector<16xf32>
      %add3A_1066 = arith.addf %gather3A_1055, %gather3A_1065 : vector<16xf32>
      %lt3A_1067 = arith.constant 0 : i32
      %lt3A_1068 = vector.broadcast %lt3A_1067 : i32 to vector<16xi32>
      %lt3A_1069 = arith.cmpi slt, %select_n3A_247, %lt3A_1068 : vector<16xi32>
      %add3A_1070 = arith.constant 16 : i32
      %add3A_1071 = vector.broadcast %add3A_1070 : i32 to vector<16xi32>
      %add3A_1072 = arith.addi %select_n3A_247, %add3A_1071 : vector<16xi32>
      %select_n3A_1073 = arith.select %lt3A_1069, %add3A_1072, %select_n3A_247 : vector<16xi1>, vector<16xi32>
      %broadcast_in_dim3A_1074 = vector.shape_cast %select_n3A_1073 : vector<16xi32> to vector<16x1xi32>
      %gather3A_1075 = vector.shape_cast %broadcast_in_dim3A_1074 : vector<16x1xi32> to vector<16xi32>
      %gather3A_1076 = tpu.dynamic_gather %add3A_590[%gather3A_1075] in [0] : vector<16xf32>, vector<16xi32> -> vector<16xf32>
      %lt3A_1077 = arith.constant 0 : i32
      %lt3A_1078 = vector.broadcast %lt3A_1077 : i32 to vector<16xi32>
      %lt3A_1079 = arith.cmpi slt, %add3A_250, %lt3A_1078 : vector<16xi32>
      %add3A_1080 = arith.constant 16 : i32
      %add3A_1081 = vector.broadcast %add3A_1080 : i32 to vector<16xi32>
      %add3A_1082 = arith.addi %add3A_250, %add3A_1081 : vector<16xi32>
      %select_n3A_1083 = arith.select %lt3A_1079, %add3A_1082, %add3A_250 : vector<16xi1>, vector<16xi32>
      %broadcast_in_dim3A_1084 = vector.shape_cast %select_n3A_1083 : vector<16xi32> to vector<16x1xi32>
      %gather3A_1085 = vector.shape_cast %broadcast_in_dim3A_1084 : vector<16x1xi32> to vector<16xi32>
      %gather3A_1086 = tpu.dynamic_gather %add3A_590[%gather3A_1085] in [0] : vector<16xf32>, vector<16xi32> -> vector<16xf32>
      %add3A_1087 = arith.addf %gather3A_1076, %gather3A_1086 : vector<16xf32>
      %select_n3A_1088 = arith.select %lt3A_254, %add3A_1066, %add3A_1087 : vector<16xi1>, vector<16xf32>
      %lt3A_1089 = arith.constant 0 : i32
      %lt3A_1090 = vector.broadcast %lt3A_1089 : i32 to vector<16xi32>
      %lt3A_1091 = arith.cmpi slt, %select_n3A_247, %lt3A_1090 : vector<16xi32>
      %add3A_1092 = arith.constant 16 : i32
      %add3A_1093 = vector.broadcast %add3A_1092 : i32 to vector<16xi32>
      %add3A_1094 = arith.addi %select_n3A_247, %add3A_1093 : vector<16xi32>
      %select_n3A_1095 = arith.select %lt3A_1091, %add3A_1094, %select_n3A_247 : vector<16xi1>, vector<16xi32>
      %broadcast_in_dim3A_1096 = vector.shape_cast %select_n3A_1095 : vector<16xi32> to vector<16x1xi32>
      %gather3A_1097 = vector.shape_cast %broadcast_in_dim3A_1096 : vector<16x1xi32> to vector<16xi32>
      %gather3A_1098 = tpu.dynamic_gather %add3A_631[%gather3A_1097] in [0] : vector<16xf32>, vector<16xi32> -> vector<16xf32>
      %lt3A_1099 = arith.constant 0 : i32
      %lt3A_1100 = vector.broadcast %lt3A_1099 : i32 to vector<16xi32>
      %lt3A_1101 = arith.cmpi slt, %add3A_250, %lt3A_1100 : vector<16xi32>
      %add3A_1102 = arith.constant 16 : i32
      %add3A_1103 = vector.broadcast %add3A_1102 : i32 to vector<16xi32>
      %add3A_1104 = arith.addi %add3A_250, %add3A_1103 : vector<16xi32>
      %select_n3A_1105 = arith.select %lt3A_1101, %add3A_1104, %add3A_250 : vector<16xi1>, vector<16xi32>
      %broadcast_in_dim3A_1106 = vector.shape_cast %select_n3A_1105 : vector<16xi32> to vector<16x1xi32>
      %gather3A_1107 = vector.shape_cast %broadcast_in_dim3A_1106 : vector<16x1xi32> to vector<16xi32>
      %gather3A_1108 = tpu.dynamic_gather %add3A_631[%gather3A_1107] in [0] : vector<16xf32>, vector<16xi32> -> vector<16xf32>
      %add3A_1109 = arith.addf %gather3A_1098, %gather3A_1108 : vector<16xf32>
      %lt3A_1110 = arith.constant 0 : i32
      %lt3A_1111 = vector.broadcast %lt3A_1110 : i32 to vector<16xi32>
      %lt3A_1112 = arith.cmpi slt, %select_n3A_247, %lt3A_1111 : vector<16xi32>
      %add3A_1113 = arith.constant 16 : i32
      %add3A_1114 = vector.broadcast %add3A_1113 : i32 to vector<16xi32>
      %add3A_1115 = arith.addi %select_n3A_247, %add3A_1114 : vector<16xi32>
      %select_n3A_1116 = arith.select %lt3A_1112, %add3A_1115, %select_n3A_247 : vector<16xi1>, vector<16xi32>
      %broadcast_in_dim3A_1117 = vector.shape_cast %select_n3A_1116 : vector<16xi32> to vector<16x1xi32>
      %gather3A_1118 = vector.shape_cast %broadcast_in_dim3A_1117 : vector<16x1xi32> to vector<16xi32>
      %gather3A_1119 = tpu.dynamic_gather %add3A_672[%gather3A_1118] in [0] : vector<16xf32>, vector<16xi32> -> vector<16xf32>
      %lt3A_1120 = arith.constant 0 : i32
      %lt3A_1121 = vector.broadcast %lt3A_1120 : i32 to vector<16xi32>
      %lt3A_1122 = arith.cmpi slt, %add3A_250, %lt3A_1121 : vector<16xi32>
      %add3A_1123 = arith.constant 16 : i32
      %add3A_1124 = vector.broadcast %add3A_1123 : i32 to vector<16xi32>
      %add3A_1125 = arith.addi %add3A_250, %add3A_1124 : vector<16xi32>
      %select_n3A_1126 = arith.select %lt3A_1122, %add3A_1125, %add3A_250 : vector<16xi1>, vector<16xi32>
      %broadcast_in_dim3A_1127 = vector.shape_cast %select_n3A_1126 : vector<16xi32> to vector<16x1xi32>
      %gather3A_1128 = vector.shape_cast %broadcast_in_dim3A_1127 : vector<16x1xi32> to vector<16xi32>
      %gather3A_1129 = tpu.dynamic_gather %add3A_672[%gather3A_1128] in [0] : vector<16xf32>, vector<16xi32> -> vector<16xf32>
      %add3A_1130 = arith.addf %gather3A_1119, %gather3A_1129 : vector<16xf32>
      %select_n3A_1131 = arith.select %lt3A_254, %add3A_1109, %add3A_1130 : vector<16xi1>, vector<16xf32>
      %lt3A_1132 = arith.constant 0 : i32
      %lt3A_1133 = vector.broadcast %lt3A_1132 : i32 to vector<16xi32>
      %lt3A_1134 = arith.cmpi slt, %select_n3A_247, %lt3A_1133 : vector<16xi32>
      %add3A_1135 = arith.constant 16 : i32
      %add3A_1136 = vector.broadcast %add3A_1135 : i32 to vector<16xi32>
      %add3A_1137 = arith.addi %select_n3A_247, %add3A_1136 : vector<16xi32>
      %select_n3A_1138 = arith.select %lt3A_1134, %add3A_1137, %select_n3A_247 : vector<16xi1>, vector<16xi32>
      %broadcast_in_dim3A_1139 = vector.shape_cast %select_n3A_1138 : vector<16xi32> to vector<16x1xi32>
      %gather3A_1140 = vector.shape_cast %broadcast_in_dim3A_1139 : vector<16x1xi32> to vector<16xi32>
      %gather3A_1141 = tpu.dynamic_gather %add3A_713[%gather3A_1140] in [0] : vector<16xf32>, vector<16xi32> -> vector<16xf32>
      %lt3A_1142 = arith.constant 0 : i32
      %lt3A_1143 = vector.broadcast %lt3A_1142 : i32 to vector<16xi32>
      %lt3A_1144 = arith.cmpi slt, %add3A_250, %lt3A_1143 : vector<16xi32>
      %add3A_1145 = arith.constant 16 : i32
      %add3A_1146 = vector.broadcast %add3A_1145 : i32 to vector<16xi32>
      %add3A_1147 = arith.addi %add3A_250, %add3A_1146 : vector<16xi32>
      %select_n3A_1148 = arith.select %lt3A_1144, %add3A_1147, %add3A_250 : vector<16xi1>, vector<16xi32>
      %broadcast_in_dim3A_1149 = vector.shape_cast %select_n3A_1148 : vector<16xi32> to vector<16x1xi32>
      %gather3A_1150 = vector.shape_cast %broadcast_in_dim3A_1149 : vector<16x1xi32> to vector<16xi32>
      %gather3A_1151 = tpu.dynamic_gather %add3A_713[%gather3A_1150] in [0] : vector<16xf32>, vector<16xi32> -> vector<16xf32>
      %add3A_1152 = arith.addf %gather3A_1141, %gather3A_1151 : vector<16xf32>
      %lt3A_1153 = arith.constant 0 : i32
      %lt3A_1154 = vector.broadcast %lt3A_1153 : i32 to vector<16xi32>
      %lt3A_1155 = arith.cmpi slt, %select_n3A_247, %lt3A_1154 : vector<16xi32>
      %add3A_1156 = arith.constant 16 : i32
      %add3A_1157 = vector.broadcast %add3A_1156 : i32 to vector<16xi32>
      %add3A_1158 = arith.addi %select_n3A_247, %add3A_1157 : vector<16xi32>
      %select_n3A_1159 = arith.select %lt3A_1155, %add3A_1158, %select_n3A_247 : vector<16xi1>, vector<16xi32>
      %broadcast_in_dim3A_1160 = vector.shape_cast %select_n3A_1159 : vector<16xi32> to vector<16x1xi32>
      %gather3A_1161 = vector.shape_cast %broadcast_in_dim3A_1160 : vector<16x1xi32> to vector<16xi32>
      %gather3A_1162 = tpu.dynamic_gather %add3A_754[%gather3A_1161] in [0] : vector<16xf32>, vector<16xi32> -> vector<16xf32>
      %lt3A_1163 = arith.constant 0 : i32
      %lt3A_1164 = vector.broadcast %lt3A_1163 : i32 to vector<16xi32>
      %lt3A_1165 = arith.cmpi slt, %add3A_250, %lt3A_1164 : vector<16xi32>
      %add3A_1166 = arith.constant 16 : i32
      %add3A_1167 = vector.broadcast %add3A_1166 : i32 to vector<16xi32>
      %add3A_1168 = arith.addi %add3A_250, %add3A_1167 : vector<16xi32>
      %select_n3A_1169 = arith.select %lt3A_1165, %add3A_1168, %add3A_250 : vector<16xi1>, vector<16xi32>
      %broadcast_in_dim3A_1170 = vector.shape_cast %select_n3A_1169 : vector<16xi32> to vector<16x1xi32>
      %gather3A_1171 = vector.shape_cast %broadcast_in_dim3A_1170 : vector<16x1xi32> to vector<16xi32>
      %gather3A_1172 = tpu.dynamic_gather %add3A_754[%gather3A_1171] in [0] : vector<16xf32>, vector<16xi32> -> vector<16xf32>
      %add3A_1173 = arith.addf %gather3A_1162, %gather3A_1172 : vector<16xf32>
      %select_n3A_1174 = arith.select %lt3A_254, %add3A_1152, %add3A_1173 : vector<16xi1>, vector<16xf32>
      %lt3A_1175 = arith.constant 0 : i32
      %lt3A_1176 = vector.broadcast %lt3A_1175 : i32 to vector<16xi32>
      %lt3A_1177 = arith.cmpi slt, %select_n3A_247, %lt3A_1176 : vector<16xi32>
      %add3A_1178 = arith.constant 16 : i32
      %add3A_1179 = vector.broadcast %add3A_1178 : i32 to vector<16xi32>
      %add3A_1180 = arith.addi %select_n3A_247, %add3A_1179 : vector<16xi32>
      %select_n3A_1181 = arith.select %lt3A_1177, %add3A_1180, %select_n3A_247 : vector<16xi1>, vector<16xi32>
      %broadcast_in_dim3A_1182 = vector.shape_cast %select_n3A_1181 : vector<16xi32> to vector<16x1xi32>
      %gather3A_1183 = vector.shape_cast %broadcast_in_dim3A_1182 : vector<16x1xi32> to vector<16xi32>
      %gather3A_1184 = tpu.dynamic_gather %add3A_795[%gather3A_1183] in [0] : vector<16xf32>, vector<16xi32> -> vector<16xf32>
      %lt3A_1185 = arith.constant 0 : i32
      %lt3A_1186 = vector.broadcast %lt3A_1185 : i32 to vector<16xi32>
      %lt3A_1187 = arith.cmpi slt, %add3A_250, %lt3A_1186 : vector<16xi32>
      %add3A_1188 = arith.constant 16 : i32
      %add3A_1189 = vector.broadcast %add3A_1188 : i32 to vector<16xi32>
      %add3A_1190 = arith.addi %add3A_250, %add3A_1189 : vector<16xi32>
      %select_n3A_1191 = arith.select %lt3A_1187, %add3A_1190, %add3A_250 : vector<16xi1>, vector<16xi32>
      %broadcast_in_dim3A_1192 = vector.shape_cast %select_n3A_1191 : vector<16xi32> to vector<16x1xi32>
      %gather3A_1193 = vector.shape_cast %broadcast_in_dim3A_1192 : vector<16x1xi32> to vector<16xi32>
      %gather3A_1194 = tpu.dynamic_gather %add3A_795[%gather3A_1193] in [0] : vector<16xf32>, vector<16xi32> -> vector<16xf32>
      %add3A_1195 = arith.addf %gather3A_1184, %gather3A_1194 : vector<16xf32>
      %lt3A_1196 = arith.constant 0 : i32
      %lt3A_1197 = vector.broadcast %lt3A_1196 : i32 to vector<16xi32>
      %lt3A_1198 = arith.cmpi slt, %select_n3A_247, %lt3A_1197 : vector<16xi32>
      %add3A_1199 = arith.constant 16 : i32
      %add3A_1200 = vector.broadcast %add3A_1199 : i32 to vector<16xi32>
      %add3A_1201 = arith.addi %select_n3A_247, %add3A_1200 : vector<16xi32>
      %select_n3A_1202 = arith.select %lt3A_1198, %add3A_1201, %select_n3A_247 : vector<16xi1>, vector<16xi32>
      %broadcast_in_dim3A_1203 = vector.shape_cast %select_n3A_1202 : vector<16xi32> to vector<16x1xi32>
      %gather3A_1204 = vector.shape_cast %broadcast_in_dim3A_1203 : vector<16x1xi32> to vector<16xi32>
      %gather3A_1205 = tpu.dynamic_gather %add3A_836[%gather3A_1204] in [0] : vector<16xf32>, vector<16xi32> -> vector<16xf32>
      %lt3A_1206 = arith.constant 0 : i32
      %lt3A_1207 = vector.broadcast %lt3A_1206 : i32 to vector<16xi32>
      %lt3A_1208 = arith.cmpi slt, %add3A_250, %lt3A_1207 : vector<16xi32>
      %add3A_1209 = arith.constant 16 : i32
      %add3A_1210 = vector.broadcast %add3A_1209 : i32 to vector<16xi32>
      %add3A_1211 = arith.addi %add3A_250, %add3A_1210 : vector<16xi32>
      %select_n3A_1212 = arith.select %lt3A_1208, %add3A_1211, %add3A_250 : vector<16xi1>, vector<16xi32>
      %broadcast_in_dim3A_1213 = vector.shape_cast %select_n3A_1212 : vector<16xi32> to vector<16x1xi32>
      %gather3A_1214 = vector.shape_cast %broadcast_in_dim3A_1213 : vector<16x1xi32> to vector<16xi32>
      %gather3A_1215 = tpu.dynamic_gather %add3A_836[%gather3A_1214] in [0] : vector<16xf32>, vector<16xi32> -> vector<16xf32>
      %add3A_1216 = arith.addf %gather3A_1205, %gather3A_1215 : vector<16xf32>
      %select_n3A_1217 = arith.select %lt3A_254, %add3A_1195, %add3A_1216 : vector<16xi1>, vector<16xf32>
      %lt3A_1218 = arith.constant 0 : i32
      %lt3A_1219 = vector.broadcast %lt3A_1218 : i32 to vector<16xi32>
      %lt3A_1220 = arith.cmpi slt, %select_n3A_247, %lt3A_1219 : vector<16xi32>
      %add3A_1221 = arith.constant 16 : i32
      %add3A_1222 = vector.broadcast %add3A_1221 : i32 to vector<16xi32>
      %add3A_1223 = arith.addi %select_n3A_247, %add3A_1222 : vector<16xi32>
      %select_n3A_1224 = arith.select %lt3A_1220, %add3A_1223, %select_n3A_247 : vector<16xi1>, vector<16xi32>
      %broadcast_in_dim3A_1225 = vector.shape_cast %select_n3A_1224 : vector<16xi32> to vector<16x1xi32>
      %gather3A_1226 = vector.shape_cast %broadcast_in_dim3A_1225 : vector<16x1xi32> to vector<16xi32>
      %gather3A_1227 = tpu.dynamic_gather %add3A_877[%gather3A_1226] in [0] : vector<16xf32>, vector<16xi32> -> vector<16xf32>
      %lt3A_1228 = arith.constant 0 : i32
      %lt3A_1229 = vector.broadcast %lt3A_1228 : i32 to vector<16xi32>
      %lt3A_1230 = arith.cmpi slt, %add3A_250, %lt3A_1229 : vector<16xi32>
      %add3A_1231 = arith.constant 16 : i32
      %add3A_1232 = vector.broadcast %add3A_1231 : i32 to vector<16xi32>
      %add3A_1233 = arith.addi %add3A_250, %add3A_1232 : vector<16xi32>
      %select_n3A_1234 = arith.select %lt3A_1230, %add3A_1233, %add3A_250 : vector<16xi1>, vector<16xi32>
      %broadcast_in_dim3A_1235 = vector.shape_cast %select_n3A_1234 : vector<16xi32> to vector<16x1xi32>
      %gather3A_1236 = vector.shape_cast %broadcast_in_dim3A_1235 : vector<16x1xi32> to vector<16xi32>
      %gather3A_1237 = tpu.dynamic_gather %add3A_877[%gather3A_1236] in [0] : vector<16xf32>, vector<16xi32> -> vector<16xf32>
      %add3A_1238 = arith.addf %gather3A_1227, %gather3A_1237 : vector<16xf32>
      %lt3A_1239 = arith.constant 0 : i32
      %lt3A_1240 = vector.broadcast %lt3A_1239 : i32 to vector<16xi32>
      %lt3A_1241 = arith.cmpi slt, %select_n3A_247, %lt3A_1240 : vector<16xi32>
      %add3A_1242 = arith.constant 16 : i32
      %add3A_1243 = vector.broadcast %add3A_1242 : i32 to vector<16xi32>
      %add3A_1244 = arith.addi %select_n3A_247, %add3A_1243 : vector<16xi32>
      %select_n3A_1245 = arith.select %lt3A_1241, %add3A_1244, %select_n3A_247 : vector<16xi1>, vector<16xi32>
      %broadcast_in_dim3A_1246 = vector.shape_cast %select_n3A_1245 : vector<16xi32> to vector<16x1xi32>
      %gather3A_1247 = vector.shape_cast %broadcast_in_dim3A_1246 : vector<16x1xi32> to vector<16xi32>
      %gather3A_1248 = tpu.dynamic_gather %add3A_918[%gather3A_1247] in [0] : vector<16xf32>, vector<16xi32> -> vector<16xf32>
      %lt3A_1249 = arith.constant 0 : i32
      %lt3A_1250 = vector.broadcast %lt3A_1249 : i32 to vector<16xi32>
      %lt3A_1251 = arith.cmpi slt, %add3A_250, %lt3A_1250 : vector<16xi32>
      %add3A_1252 = arith.constant 16 : i32
      %add3A_1253 = vector.broadcast %add3A_1252 : i32 to vector<16xi32>
      %add3A_1254 = arith.addi %add3A_250, %add3A_1253 : vector<16xi32>
      %select_n3A_1255 = arith.select %lt3A_1251, %add3A_1254, %add3A_250 : vector<16xi1>, vector<16xi32>
      %broadcast_in_dim3A_1256 = vector.shape_cast %select_n3A_1255 : vector<16xi32> to vector<16x1xi32>
      %gather3A_1257 = vector.shape_cast %broadcast_in_dim3A_1256 : vector<16x1xi32> to vector<16xi32>
      %gather3A_1258 = tpu.dynamic_gather %add3A_918[%gather3A_1257] in [0] : vector<16xf32>, vector<16xi32> -> vector<16xf32>
      %add3A_1259 = arith.addf %gather3A_1248, %gather3A_1258 : vector<16xf32>
      %select_n3A_1260 = arith.select %lt3A_254, %add3A_1238, %add3A_1259 : vector<16xi1>, vector<16xf32>
      %lt3A_1261 = arith.constant 0 : i32
      %lt3A_1262 = vector.broadcast %lt3A_1261 : i32 to vector<16xi32>
      %lt3A_1263 = arith.cmpi slt, %select_n3A_247, %lt3A_1262 : vector<16xi32>
      %add3A_1264 = arith.constant 16 : i32
      %add3A_1265 = vector.broadcast %add3A_1264 : i32 to vector<16xi32>
      %add3A_1266 = arith.addi %select_n3A_247, %add3A_1265 : vector<16xi32>
      %select_n3A_1267 = arith.select %lt3A_1263, %add3A_1266, %select_n3A_247 : vector<16xi1>, vector<16xi32>
      %broadcast_in_dim3A_1268 = vector.shape_cast %select_n3A_1267 : vector<16xi32> to vector<16x1xi32>
      %gather3A_1269 = vector.shape_cast %broadcast_in_dim3A_1268 : vector<16x1xi32> to vector<16xi32>
      %gather3A_1270 = tpu.dynamic_gather %select_n3A_959[%gather3A_1269] in [0] : vector<16xf32>, vector<16xi32> -> vector<16xf32>
      %lt3A_1271 = arith.constant 0 : i32
      %lt3A_1272 = vector.broadcast %lt3A_1271 : i32 to vector<16xi32>
      %lt3A_1273 = arith.cmpi slt, %add3A_250, %lt3A_1272 : vector<16xi32>
      %add3A_1274 = arith.constant 16 : i32
      %add3A_1275 = vector.broadcast %add3A_1274 : i32 to vector<16xi32>
      %add3A_1276 = arith.addi %add3A_250, %add3A_1275 : vector<16xi32>
      %select_n3A_1277 = arith.select %lt3A_1273, %add3A_1276, %add3A_250 : vector<16xi1>, vector<16xi32>
      %broadcast_in_dim3A_1278 = vector.shape_cast %select_n3A_1277 : vector<16xi32> to vector<16x1xi32>
      %gather3A_1279 = vector.shape_cast %broadcast_in_dim3A_1278 : vector<16x1xi32> to vector<16xi32>
      %gather3A_1280 = tpu.dynamic_gather %select_n3A_959[%gather3A_1279] in [0] : vector<16xf32>, vector<16xi32> -> vector<16xf32>
      %add3A_1281 = arith.addf %gather3A_1270, %gather3A_1280 : vector<16xf32>
      %lt3A_1282 = arith.constant 0 : i32
      %lt3A_1283 = vector.broadcast %lt3A_1282 : i32 to vector<16xi32>
      %lt3A_1284 = arith.cmpi slt, %select_n3A_247, %lt3A_1283 : vector<16xi32>
      %add3A_1285 = arith.constant 16 : i32
      %add3A_1286 = vector.broadcast %add3A_1285 : i32 to vector<16xi32>
      %add3A_1287 = arith.addi %select_n3A_247, %add3A_1286 : vector<16xi32>
      %select_n3A_1288 = arith.select %lt3A_1284, %add3A_1287, %select_n3A_247 : vector<16xi1>, vector<16xi32>
      %broadcast_in_dim3A_1289 = vector.shape_cast %select_n3A_1288 : vector<16xi32> to vector<16x1xi32>
      %gather3A_1290 = vector.shape_cast %broadcast_in_dim3A_1289 : vector<16x1xi32> to vector<16xi32>
      %gather3A_1291 = tpu.dynamic_gather %select_n3A_1002[%gather3A_1290] in [0] : vector<16xf32>, vector<16xi32> -> vector<16xf32>
      %lt3A_1292 = arith.constant 0 : i32
      %lt3A_1293 = vector.broadcast %lt3A_1292 : i32 to vector<16xi32>
      %lt3A_1294 = arith.cmpi slt, %add3A_250, %lt3A_1293 : vector<16xi32>
      %add3A_1295 = arith.constant 16 : i32
      %add3A_1296 = vector.broadcast %add3A_1295 : i32 to vector<16xi32>
      %add3A_1297 = arith.addi %add3A_250, %add3A_1296 : vector<16xi32>
      %select_n3A_1298 = arith.select %lt3A_1294, %add3A_1297, %add3A_250 : vector<16xi1>, vector<16xi32>
      %broadcast_in_dim3A_1299 = vector.shape_cast %select_n3A_1298 : vector<16xi32> to vector<16x1xi32>
      %gather3A_1300 = vector.shape_cast %broadcast_in_dim3A_1299 : vector<16x1xi32> to vector<16xi32>
      %gather3A_1301 = tpu.dynamic_gather %select_n3A_1002[%gather3A_1300] in [0] : vector<16xf32>, vector<16xi32> -> vector<16xf32>
      %add3A_1302 = arith.addf %gather3A_1291, %gather3A_1301 : vector<16xf32>
      %select_n3A_1303 = arith.select %lt3A_254, %add3A_1281, %add3A_1302 : vector<16xi1>, vector<16xf32>
      %lt3A_1304 = arith.constant 0 : i32
      %lt3A_1305 = vector.broadcast %lt3A_1304 : i32 to vector<16xi32>
      %lt3A_1306 = arith.cmpi slt, %select_n3A_247, %lt3A_1305 : vector<16xi32>
      %add3A_1307 = arith.constant 16 : i32
      %add3A_1308 = vector.broadcast %add3A_1307 : i32 to vector<16xi32>
      %add3A_1309 = arith.addi %select_n3A_247, %add3A_1308 : vector<16xi32>
      %select_n3A_1310 = arith.select %lt3A_1306, %add3A_1309, %select_n3A_247 : vector<16xi1>, vector<16xi32>
      %broadcast_in_dim3A_1311 = vector.shape_cast %select_n3A_1310 : vector<16xi32> to vector<16x1xi32>
      %gather3A_1312 = vector.shape_cast %broadcast_in_dim3A_1311 : vector<16x1xi32> to vector<16xi32>
      %gather3A_1313 = tpu.dynamic_gather %select_n3A_1045[%gather3A_1312] in [0] : vector<16xf32>, vector<16xi32> -> vector<16xf32>
      %lt3A_1314 = arith.constant 0 : i32
      %lt3A_1315 = vector.broadcast %lt3A_1314 : i32 to vector<16xi32>
      %lt3A_1316 = arith.cmpi slt, %add3A_250, %lt3A_1315 : vector<16xi32>
      %add3A_1317 = arith.constant 16 : i32
      %add3A_1318 = vector.broadcast %add3A_1317 : i32 to vector<16xi32>
      %add3A_1319 = arith.addi %add3A_250, %add3A_1318 : vector<16xi32>
      %select_n3A_1320 = arith.select %lt3A_1316, %add3A_1319, %add3A_250 : vector<16xi1>, vector<16xi32>
      %broadcast_in_dim3A_1321 = vector.shape_cast %select_n3A_1320 : vector<16xi32> to vector<16x1xi32>
      %gather3A_1322 = vector.shape_cast %broadcast_in_dim3A_1321 : vector<16x1xi32> to vector<16xi32>
      %gather3A_1323 = tpu.dynamic_gather %select_n3A_1045[%gather3A_1322] in [0] : vector<16xf32>, vector<16xi32> -> vector<16xf32>
      %add3A_1324 = arith.addf %gather3A_1313, %gather3A_1323 : vector<16xf32>
      %lt3A_1325 = arith.constant 0 : i32
      %lt3A_1326 = vector.broadcast %lt3A_1325 : i32 to vector<16xi32>
      %lt3A_1327 = arith.cmpi slt, %select_n3A_247, %lt3A_1326 : vector<16xi32>
      %add3A_1328 = arith.constant 16 : i32
      %add3A_1329 = vector.broadcast %add3A_1328 : i32 to vector<16xi32>
      %add3A_1330 = arith.addi %select_n3A_247, %add3A_1329 : vector<16xi32>
      %select_n3A_1331 = arith.select %lt3A_1327, %add3A_1330, %select_n3A_247 : vector<16xi1>, vector<16xi32>
      %broadcast_in_dim3A_1332 = vector.shape_cast %select_n3A_1331 : vector<16xi32> to vector<16x1xi32>
      %gather3A_1333 = vector.shape_cast %broadcast_in_dim3A_1332 : vector<16x1xi32> to vector<16xi32>
      %gather3A_1334 = tpu.dynamic_gather %select_n3A_1088[%gather3A_1333] in [0] : vector<16xf32>, vector<16xi32> -> vector<16xf32>
      %lt3A_1335 = arith.constant 0 : i32
      %lt3A_1336 = vector.broadcast %lt3A_1335 : i32 to vector<16xi32>
      %lt3A_1337 = arith.cmpi slt, %add3A_250, %lt3A_1336 : vector<16xi32>
      %add3A_1338 = arith.constant 16 : i32
      %add3A_1339 = vector.broadcast %add3A_1338 : i32 to vector<16xi32>
      %add3A_1340 = arith.addi %add3A_250, %add3A_1339 : vector<16xi32>
      %select_n3A_1341 = arith.select %lt3A_1337, %add3A_1340, %add3A_250 : vector<16xi1>, vector<16xi32>
      %broadcast_in_dim3A_1342 = vector.shape_cast %select_n3A_1341 : vector<16xi32> to vector<16x1xi32>
      %gather3A_1343 = vector.shape_cast %broadcast_in_dim3A_1342 : vector<16x1xi32> to vector<16xi32>
      %gather3A_1344 = tpu.dynamic_gather %select_n3A_1088[%gather3A_1343] in [0] : vector<16xf32>, vector<16xi32> -> vector<16xf32>
      %add3A_1345 = arith.addf %gather3A_1334, %gather3A_1344 : vector<16xf32>
      %select_n3A_1346 = arith.select %lt3A_254, %add3A_1324, %add3A_1345 : vector<16xi1>, vector<16xf32>
      %lt3A_1347 = arith.constant 0 : i32
      %lt3A_1348 = vector.broadcast %lt3A_1347 : i32 to vector<16xi32>
      %lt3A_1349 = arith.cmpi slt, %select_n3A_247, %lt3A_1348 : vector<16xi32>
      %add3A_1350 = arith.constant 16 : i32
      %add3A_1351 = vector.broadcast %add3A_1350 : i32 to vector<16xi32>
      %add3A_1352 = arith.addi %select_n3A_247, %add3A_1351 : vector<16xi32>
      %select_n3A_1353 = arith.select %lt3A_1349, %add3A_1352, %select_n3A_247 : vector<16xi1>, vector<16xi32>
      %broadcast_in_dim3A_1354 = vector.shape_cast %select_n3A_1353 : vector<16xi32> to vector<16x1xi32>
      %gather3A_1355 = vector.shape_cast %broadcast_in_dim3A_1354 : vector<16x1xi32> to vector<16xi32>
      %gather3A_1356 = tpu.dynamic_gather %select_n3A_1131[%gather3A_1355] in [0] : vector<16xf32>, vector<16xi32> -> vector<16xf32>
      %lt3A_1357 = arith.constant 0 : i32
      %lt3A_1358 = vector.broadcast %lt3A_1357 : i32 to vector<16xi32>
      %lt3A_1359 = arith.cmpi slt, %add3A_250, %lt3A_1358 : vector<16xi32>
      %add3A_1360 = arith.constant 16 : i32
      %add3A_1361 = vector.broadcast %add3A_1360 : i32 to vector<16xi32>
      %add3A_1362 = arith.addi %add3A_250, %add3A_1361 : vector<16xi32>
      %select_n3A_1363 = arith.select %lt3A_1359, %add3A_1362, %add3A_250 : vector<16xi1>, vector<16xi32>
      %broadcast_in_dim3A_1364 = vector.shape_cast %select_n3A_1363 : vector<16xi32> to vector<16x1xi32>
      %gather3A_1365 = vector.shape_cast %broadcast_in_dim3A_1364 : vector<16x1xi32> to vector<16xi32>
      %gather3A_1366 = tpu.dynamic_gather %select_n3A_1131[%gather3A_1365] in [0] : vector<16xf32>, vector<16xi32> -> vector<16xf32>
      %add3A_1367 = arith.addf %gather3A_1356, %gather3A_1366 : vector<16xf32>
      %lt3A_1368 = arith.constant 0 : i32
      %lt3A_1369 = vector.broadcast %lt3A_1368 : i32 to vector<16xi32>
      %lt3A_1370 = arith.cmpi slt, %select_n3A_247, %lt3A_1369 : vector<16xi32>
      %add3A_1371 = arith.constant 16 : i32
      %add3A_1372 = vector.broadcast %add3A_1371 : i32 to vector<16xi32>
      %add3A_1373 = arith.addi %select_n3A_247, %add3A_1372 : vector<16xi32>
      %select_n3A_1374 = arith.select %lt3A_1370, %add3A_1373, %select_n3A_247 : vector<16xi1>, vector<16xi32>
      %broadcast_in_dim3A_1375 = vector.shape_cast %select_n3A_1374 : vector<16xi32> to vector<16x1xi32>
      %gather3A_1376 = vector.shape_cast %broadcast_in_dim3A_1375 : vector<16x1xi32> to vector<16xi32>
      %gather3A_1377 = tpu.dynamic_gather %select_n3A_1174[%gather3A_1376] in [0] : vector<16xf32>, vector<16xi32> -> vector<16xf32>
      %lt3A_1378 = arith.constant 0 : i32
      %lt3A_1379 = vector.broadcast %lt3A_1378 : i32 to vector<16xi32>
      %lt3A_1380 = arith.cmpi slt, %add3A_250, %lt3A_1379 : vector<16xi32>
      %add3A_1381 = arith.constant 16 : i32
      %add3A_1382 = vector.broadcast %add3A_1381 : i32 to vector<16xi32>
      %add3A_1383 = arith.addi %add3A_250, %add3A_1382 : vector<16xi32>
      %select_n3A_1384 = arith.select %lt3A_1380, %add3A_1383, %add3A_250 : vector<16xi1>, vector<16xi32>
      %broadcast_in_dim3A_1385 = vector.shape_cast %select_n3A_1384 : vector<16xi32> to vector<16x1xi32>
      %gather3A_1386 = vector.shape_cast %broadcast_in_dim3A_1385 : vector<16x1xi32> to vector<16xi32>
      %gather3A_1387 = tpu.dynamic_gather %select_n3A_1174[%gather3A_1386] in [0] : vector<16xf32>, vector<16xi32> -> vector<16xf32>
      %add3A_1388 = arith.addf %gather3A_1377, %gather3A_1387 : vector<16xf32>
      %select_n3A_1389 = arith.select %lt3A_254, %add3A_1367, %add3A_1388 : vector<16xi1>, vector<16xf32>
      %lt3A_1390 = arith.constant 0 : i32
      %lt3A_1391 = vector.broadcast %lt3A_1390 : i32 to vector<16xi32>
      %lt3A_1392 = arith.cmpi slt, %select_n3A_247, %lt3A_1391 : vector<16xi32>
      %add3A_1393 = arith.constant 16 : i32
      %add3A_1394 = vector.broadcast %add3A_1393 : i32 to vector<16xi32>
      %add3A_1395 = arith.addi %select_n3A_247, %add3A_1394 : vector<16xi32>
      %select_n3A_1396 = arith.select %lt3A_1392, %add3A_1395, %select_n3A_247 : vector<16xi1>, vector<16xi32>
      %broadcast_in_dim3A_1397 = vector.shape_cast %select_n3A_1396 : vector<16xi32> to vector<16x1xi32>
      %gather3A_1398 = vector.shape_cast %broadcast_in_dim3A_1397 : vector<16x1xi32> to vector<16xi32>
      %gather3A_1399 = tpu.dynamic_gather %select_n3A_1217[%gather3A_1398] in [0] : vector<16xf32>, vector<16xi32> -> vector<16xf32>
      %lt3A_1400 = arith.constant 0 : i32
      %lt3A_1401 = vector.broadcast %lt3A_1400 : i32 to vector<16xi32>
      %lt3A_1402 = arith.cmpi slt, %add3A_250, %lt3A_1401 : vector<16xi32>
      %add3A_1403 = arith.constant 16 : i32
      %add3A_1404 = vector.broadcast %add3A_1403 : i32 to vector<16xi32>
      %add3A_1405 = arith.addi %add3A_250, %add3A_1404 : vector<16xi32>
      %select_n3A_1406 = arith.select %lt3A_1402, %add3A_1405, %add3A_250 : vector<16xi1>, vector<16xi32>
      %broadcast_in_dim3A_1407 = vector.shape_cast %select_n3A_1406 : vector<16xi32> to vector<16x1xi32>
      %gather3A_1408 = vector.shape_cast %broadcast_in_dim3A_1407 : vector<16x1xi32> to vector<16xi32>
      %gather3A_1409 = tpu.dynamic_gather %select_n3A_1217[%gather3A_1408] in [0] : vector<16xf32>, vector<16xi32> -> vector<16xf32>
      %add3A_1410 = arith.addf %gather3A_1399, %gather3A_1409 : vector<16xf32>
      %lt3A_1411 = arith.constant 0 : i32
      %lt3A_1412 = vector.broadcast %lt3A_1411 : i32 to vector<16xi32>
      %lt3A_1413 = arith.cmpi slt, %select_n3A_247, %lt3A_1412 : vector<16xi32>
      %add3A_1414 = arith.constant 16 : i32
      %add3A_1415 = vector.broadcast %add3A_1414 : i32 to vector<16xi32>
      %add3A_1416 = arith.addi %select_n3A_247, %add3A_1415 : vector<16xi32>
      %select_n3A_1417 = arith.select %lt3A_1413, %add3A_1416, %select_n3A_247 : vector<16xi1>, vector<16xi32>
      %broadcast_in_dim3A_1418 = vector.shape_cast %select_n3A_1417 : vector<16xi32> to vector<16x1xi32>
      %gather3A_1419 = vector.shape_cast %broadcast_in_dim3A_1418 : vector<16x1xi32> to vector<16xi32>
      %gather3A_1420 = tpu.dynamic_gather %select_n3A_1260[%gather3A_1419] in [0] : vector<16xf32>, vector<16xi32> -> vector<16xf32>
      %lt3A_1421 = arith.constant 0 : i32
      %lt3A_1422 = vector.broadcast %lt3A_1421 : i32 to vector<16xi32>
      %lt3A_1423 = arith.cmpi slt, %add3A_250, %lt3A_1422 : vector<16xi32>
      %add3A_1424 = arith.constant 16 : i32
      %add3A_1425 = vector.broadcast %add3A_1424 : i32 to vector<16xi32>
      %add3A_1426 = arith.addi %add3A_250, %add3A_1425 : vector<16xi32>
      %select_n3A_1427 = arith.select %lt3A_1423, %add3A_1426, %add3A_250 : vector<16xi1>, vector<16xi32>
      %broadcast_in_dim3A_1428 = vector.shape_cast %select_n3A_1427 : vector<16xi32> to vector<16x1xi32>
      %gather3A_1429 = vector.shape_cast %broadcast_in_dim3A_1428 : vector<16x1xi32> to vector<16xi32>
      %gather3A_1430 = tpu.dynamic_gather %select_n3A_1260[%gather3A_1429] in [0] : vector<16xf32>, vector<16xi32> -> vector<16xf32>
      %add3A_1431 = arith.addf %gather3A_1420, %gather3A_1430 : vector<16xf32>
      %select_n3A_1432 = arith.select %lt3A_254, %add3A_1410, %add3A_1431 : vector<16xi1>, vector<16xf32>
      %lt3A_1433 = arith.constant 0 : i32
      %lt3A_1434 = vector.broadcast %lt3A_1433 : i32 to vector<16xi32>
      %lt3A_1435 = arith.cmpi slt, %select_n3A_247, %lt3A_1434 : vector<16xi32>
      %add3A_1436 = arith.constant 16 : i32
      %add3A_1437 = vector.broadcast %add3A_1436 : i32 to vector<16xi32>
      %add3A_1438 = arith.addi %select_n3A_247, %add3A_1437 : vector<16xi32>
      %select_n3A_1439 = arith.select %lt3A_1435, %add3A_1438, %select_n3A_247 : vector<16xi1>, vector<16xi32>
      %broadcast_in_dim3A_1440 = vector.shape_cast %select_n3A_1439 : vector<16xi32> to vector<16x1xi32>
      %gather3A_1441 = vector.shape_cast %broadcast_in_dim3A_1440 : vector<16x1xi32> to vector<16xi32>
      %gather3A_1442 = tpu.dynamic_gather %select_n3A_1303[%gather3A_1441] in [0] : vector<16xf32>, vector<16xi32> -> vector<16xf32>
      %lt3A_1443 = arith.constant 0 : i32
      %lt3A_1444 = vector.broadcast %lt3A_1443 : i32 to vector<16xi32>
      %lt3A_1445 = arith.cmpi slt, %add3A_250, %lt3A_1444 : vector<16xi32>
      %add3A_1446 = arith.constant 16 : i32
      %add3A_1447 = vector.broadcast %add3A_1446 : i32 to vector<16xi32>
      %add3A_1448 = arith.addi %add3A_250, %add3A_1447 : vector<16xi32>
      %select_n3A_1449 = arith.select %lt3A_1445, %add3A_1448, %add3A_250 : vector<16xi1>, vector<16xi32>
      %broadcast_in_dim3A_1450 = vector.shape_cast %select_n3A_1449 : vector<16xi32> to vector<16x1xi32>
      %gather3A_1451 = vector.shape_cast %broadcast_in_dim3A_1450 : vector<16x1xi32> to vector<16xi32>
      %gather3A_1452 = tpu.dynamic_gather %select_n3A_1303[%gather3A_1451] in [0] : vector<16xf32>, vector<16xi32> -> vector<16xf32>
      %add3A_1453 = arith.addf %gather3A_1442, %gather3A_1452 : vector<16xf32>
      %lt3A_1454 = arith.constant 0 : i32
      %lt3A_1455 = vector.broadcast %lt3A_1454 : i32 to vector<16xi32>
      %lt3A_1456 = arith.cmpi slt, %select_n3A_247, %lt3A_1455 : vector<16xi32>
      %add3A_1457 = arith.constant 16 : i32
      %add3A_1458 = vector.broadcast %add3A_1457 : i32 to vector<16xi32>
      %add3A_1459 = arith.addi %select_n3A_247, %add3A_1458 : vector<16xi32>
      %select_n3A_1460 = arith.select %lt3A_1456, %add3A_1459, %select_n3A_247 : vector<16xi1>, vector<16xi32>
      %broadcast_in_dim3A_1461 = vector.shape_cast %select_n3A_1460 : vector<16xi32> to vector<16x1xi32>
      %gather3A_1462 = vector.shape_cast %broadcast_in_dim3A_1461 : vector<16x1xi32> to vector<16xi32>
      %gather3A_1463 = tpu.dynamic_gather %select_n3A_1346[%gather3A_1462] in [0] : vector<16xf32>, vector<16xi32> -> vector<16xf32>
      %lt3A_1464 = arith.constant 0 : i32
      %lt3A_1465 = vector.broadcast %lt3A_1464 : i32 to vector<16xi32>
      %lt3A_1466 = arith.cmpi slt, %add3A_250, %lt3A_1465 : vector<16xi32>
      %add3A_1467 = arith.constant 16 : i32
      %add3A_1468 = vector.broadcast %add3A_1467 : i32 to vector<16xi32>
      %add3A_1469 = arith.addi %add3A_250, %add3A_1468 : vector<16xi32>
      %select_n3A_1470 = arith.select %lt3A_1466, %add3A_1469, %add3A_250 : vector<16xi1>, vector<16xi32>
      %broadcast_in_dim3A_1471 = vector.shape_cast %select_n3A_1470 : vector<16xi32> to vector<16x1xi32>
      %gather3A_1472 = vector.shape_cast %broadcast_in_dim3A_1471 : vector<16x1xi32> to vector<16xi32>
      %gather3A_1473 = tpu.dynamic_gather %select_n3A_1346[%gather3A_1472] in [0] : vector<16xf32>, vector<16xi32> -> vector<16xf32>
      %add3A_1474 = arith.addf %gather3A_1463, %gather3A_1473 : vector<16xf32>
      %select_n3A_1475 = arith.select %lt3A_254, %add3A_1453, %add3A_1474 : vector<16xi1>, vector<16xf32>
      %lt3A_1476 = arith.constant 0 : i32
      %lt3A_1477 = vector.broadcast %lt3A_1476 : i32 to vector<16xi32>
      %lt3A_1478 = arith.cmpi slt, %select_n3A_247, %lt3A_1477 : vector<16xi32>
      %add3A_1479 = arith.constant 16 : i32
      %add3A_1480 = vector.broadcast %add3A_1479 : i32 to vector<16xi32>
      %add3A_1481 = arith.addi %select_n3A_247, %add3A_1480 : vector<16xi32>
      %select_n3A_1482 = arith.select %lt3A_1478, %add3A_1481, %select_n3A_247 : vector<16xi1>, vector<16xi32>
      %broadcast_in_dim3A_1483 = vector.shape_cast %select_n3A_1482 : vector<16xi32> to vector<16x1xi32>
      %gather3A_1484 = vector.shape_cast %broadcast_in_dim3A_1483 : vector<16x1xi32> to vector<16xi32>
      %gather3A_1485 = tpu.dynamic_gather %select_n3A_1389[%gather3A_1484] in [0] : vector<16xf32>, vector<16xi32> -> vector<16xf32>
      %lt3A_1486 = arith.constant 0 : i32
      %lt3A_1487 = vector.broadcast %lt3A_1486 : i32 to vector<16xi32>
      %lt3A_1488 = arith.cmpi slt, %add3A_250, %lt3A_1487 : vector<16xi32>
      %add3A_1489 = arith.constant 16 : i32
      %add3A_1490 = vector.broadcast %add3A_1489 : i32 to vector<16xi32>
      %add3A_1491 = arith.addi %add3A_250, %add3A_1490 : vector<16xi32>
      %select_n3A_1492 = arith.select %lt3A_1488, %add3A_1491, %add3A_250 : vector<16xi1>, vector<16xi32>
      %broadcast_in_dim3A_1493 = vector.shape_cast %select_n3A_1492 : vector<16xi32> to vector<16x1xi32>
      %gather3A_1494 = vector.shape_cast %broadcast_in_dim3A_1493 : vector<16x1xi32> to vector<16xi32>
      %gather3A_1495 = tpu.dynamic_gather %select_n3A_1389[%gather3A_1494] in [0] : vector<16xf32>, vector<16xi32> -> vector<16xf32>
      %add3A_1496 = arith.addf %gather3A_1485, %gather3A_1495 : vector<16xf32>
      %lt3A_1497 = arith.constant 0 : i32
      %lt3A_1498 = vector.broadcast %lt3A_1497 : i32 to vector<16xi32>
      %lt3A_1499 = arith.cmpi slt, %select_n3A_247, %lt3A_1498 : vector<16xi32>
      %add3A_1500 = arith.constant 16 : i32
      %add3A_1501 = vector.broadcast %add3A_1500 : i32 to vector<16xi32>
      %add3A_1502 = arith.addi %select_n3A_247, %add3A_1501 : vector<16xi32>
      %select_n3A_1503 = arith.select %lt3A_1499, %add3A_1502, %select_n3A_247 : vector<16xi1>, vector<16xi32>
      %broadcast_in_dim3A_1504 = vector.shape_cast %select_n3A_1503 : vector<16xi32> to vector<16x1xi32>
      %gather3A_1505 = vector.shape_cast %broadcast_in_dim3A_1504 : vector<16x1xi32> to vector<16xi32>
      %gather3A_1506 = tpu.dynamic_gather %select_n3A_1432[%gather3A_1505] in [0] : vector<16xf32>, vector<16xi32> -> vector<16xf32>
      %lt3A_1507 = arith.constant 0 : i32
      %lt3A_1508 = vector.broadcast %lt3A_1507 : i32 to vector<16xi32>
      %lt3A_1509 = arith.cmpi slt, %add3A_250, %lt3A_1508 : vector<16xi32>
      %add3A_1510 = arith.constant 16 : i32
      %add3A_1511 = vector.broadcast %add3A_1510 : i32 to vector<16xi32>
      %add3A_1512 = arith.addi %add3A_250, %add3A_1511 : vector<16xi32>
      %select_n3A_1513 = arith.select %lt3A_1509, %add3A_1512, %add3A_250 : vector<16xi1>, vector<16xi32>
      %broadcast_in_dim3A_1514 = vector.shape_cast %select_n3A_1513 : vector<16xi32> to vector<16x1xi32>
      %gather3A_1515 = vector.shape_cast %broadcast_in_dim3A_1514 : vector<16x1xi32> to vector<16xi32>
      %gather3A_1516 = tpu.dynamic_gather %select_n3A_1432[%gather3A_1515] in [0] : vector<16xf32>, vector<16xi32> -> vector<16xf32>
      %add3A_1517 = arith.addf %gather3A_1506, %gather3A_1516 : vector<16xf32>
      %select_n3A_1518 = arith.select %lt3A_254, %add3A_1496, %add3A_1517 : vector<16xi1>, vector<16xf32>
      %lt3A_1519 = arith.constant 0 : i32
      %lt3A_1520 = vector.broadcast %lt3A_1519 : i32 to vector<16xi32>
      %lt3A_1521 = arith.cmpi slt, %select_n3A_247, %lt3A_1520 : vector<16xi32>
      %add3A_1522 = arith.constant 16 : i32
      %add3A_1523 = vector.broadcast %add3A_1522 : i32 to vector<16xi32>
      %add3A_1524 = arith.addi %select_n3A_247, %add3A_1523 : vector<16xi32>
      %select_n3A_1525 = arith.select %lt3A_1521, %add3A_1524, %select_n3A_247 : vector<16xi1>, vector<16xi32>
      %broadcast_in_dim3A_1526 = vector.shape_cast %select_n3A_1525 : vector<16xi32> to vector<16x1xi32>
      %gather3A_1527 = vector.shape_cast %broadcast_in_dim3A_1526 : vector<16x1xi32> to vector<16xi32>
      %gather3A_1528 = tpu.dynamic_gather %select_n3A_1475[%gather3A_1527] in [0] : vector<16xf32>, vector<16xi32> -> vector<16xf32>
      %lt3A_1529 = arith.constant 0 : i32
      %lt3A_1530 = vector.broadcast %lt3A_1529 : i32 to vector<16xi32>
      %lt3A_1531 = arith.cmpi slt, %add3A_250, %lt3A_1530 : vector<16xi32>
      %add3A_1532 = arith.constant 16 : i32
      %add3A_1533 = vector.broadcast %add3A_1532 : i32 to vector<16xi32>
      %add3A_1534 = arith.addi %add3A_250, %add3A_1533 : vector<16xi32>
      %select_n3A_1535 = arith.select %lt3A_1531, %add3A_1534, %add3A_250 : vector<16xi1>, vector<16xi32>
      %broadcast_in_dim3A_1536 = vector.shape_cast %select_n3A_1535 : vector<16xi32> to vector<16x1xi32>
      %gather3A_1537 = vector.shape_cast %broadcast_in_dim3A_1536 : vector<16x1xi32> to vector<16xi32>
      %gather3A_1538 = tpu.dynamic_gather %select_n3A_1475[%gather3A_1537] in [0] : vector<16xf32>, vector<16xi32> -> vector<16xf32>
      %add3A_1539 = arith.addf %gather3A_1528, %gather3A_1538 : vector<16xf32>
      %lt3A_1540 = arith.constant 0 : i32
      %lt3A_1541 = vector.broadcast %lt3A_1540 : i32 to vector<16xi32>
      %lt3A_1542 = arith.cmpi slt, %select_n3A_247, %lt3A_1541 : vector<16xi32>
      %add3A_1543 = arith.constant 16 : i32
      %add3A_1544 = vector.broadcast %add3A_1543 : i32 to vector<16xi32>
      %add3A_1545 = arith.addi %select_n3A_247, %add3A_1544 : vector<16xi32>
      %select_n3A_1546 = arith.select %lt3A_1542, %add3A_1545, %select_n3A_247 : vector<16xi1>, vector<16xi32>
      %broadcast_in_dim3A_1547 = vector.shape_cast %select_n3A_1546 : vector<16xi32> to vector<16x1xi32>
      %gather3A_1548 = vector.shape_cast %broadcast_in_dim3A_1547 : vector<16x1xi32> to vector<16xi32>
      %gather3A_1549 = tpu.dynamic_gather %select_n3A_1518[%gather3A_1548] in [0] : vector<16xf32>, vector<16xi32> -> vector<16xf32>
      %lt3A_1550 = arith.constant 0 : i32
      %lt3A_1551 = vector.broadcast %lt3A_1550 : i32 to vector<16xi32>
      %lt3A_1552 = arith.cmpi slt, %add3A_250, %lt3A_1551 : vector<16xi32>
      %add3A_1553 = arith.constant 16 : i32
      %add3A_1554 = vector.broadcast %add3A_1553 : i32 to vector<16xi32>
      %add3A_1555 = arith.addi %add3A_250, %add3A_1554 : vector<16xi32>
      %select_n3A_1556 = arith.select %lt3A_1552, %add3A_1555, %add3A_250 : vector<16xi1>, vector<16xi32>
      %broadcast_in_dim3A_1557 = vector.shape_cast %select_n3A_1556 : vector<16xi32> to vector<16x1xi32>
      %gather3A_1558 = vector.shape_cast %broadcast_in_dim3A_1557 : vector<16x1xi32> to vector<16xi32>
      %gather3A_1559 = tpu.dynamic_gather %select_n3A_1518[%gather3A_1558] in [0] : vector<16xf32>, vector<16xi32> -> vector<16xf32>
      %add3A_1560 = arith.addf %gather3A_1549, %gather3A_1559 : vector<16xf32>
      %select_n3A_1561 = arith.select %lt3A_254, %add3A_1539, %add3A_1560 : vector<16xi1>, vector<16xf32>
      %get3A_1562 = arith.index_cast %mul3A_262 : i32 to index
      %get3A_1563 = tpu.vector_load %arg14[%get3A_1562] {strides = array<i32>} : memref<512xf32, #tpu.memory_space<vmem>>, vector<16xf32>,
      %get3A_1564 = vector.shape_cast %get3A_1563 : vector<16xf32> to vector<16xf32>
      %add3A_1565 = arith.addf %select_n3A_1561, %get3A_1564 : vector<16xf32>
      %get3A_1566 = arith.index_cast %mul3A_262 : i32 to index
      %get3A_1567 = tpu.vector_load %arg15[%get3A_1566] {strides = array<i32>} : memref<512xf32, #tpu.memory_space<vmem>>, vector<16xf32>,
      %get3A_1568 = vector.shape_cast %get3A_1567 : vector<16xf32> to vector<16xf32>
      %add3A_1569 = arith.addf %add3A_1565, %get3A_1568 : vector<16xf32>
      %add3A_1570 = arith.addf %add3A_1569, %get3A_226 : vector<16xf32>
      %neg3A = arith.constant 0.000000e+00 : f32
      %neg3A_1571 = vector.broadcast %neg3A : f32 to vector<16xf32>
      %neg3A_1572 = arith.subf %neg3A_1571, %add3A_1570 : vector<16xf32>
      %exp3A = math.exp %neg3A_1572 : vector<16xf32>
      %add3A_1573 = arith.constant 1.000000e+00 : f32
      %add3A_1574 = vector.broadcast %add3A_1573 : f32 to vector<16xf32>
      %add3A_1575 = arith.addf %add3A_1574, %exp3A : vector<16xf32>
      %div3A = arith.constant 5.000000e+00 : f32
      %div3A_1576 = vector.broadcast %div3A : f32 to vector<16xf32>
      %div3A_1577 = arith.divf %div3A_1576, %add3A_1575 : vector<16xf32>
      %swap3A = arith.index_cast %mul3A_262 : i32 to index
      %swap3A_1578 = tpu.vector_load %arg17[%swap3A] {strides = array<i32>} : memref<512xf32, #tpu.memory_space<vmem>>, vector<16xf32>,
      %swap3A_1579 = vector.shape_cast %swap3A_1578 : vector<16xf32> to vector<16xf32>
      %swap3A_1580 = vector.shape_cast %div3A_1577 : vector<16xf32> to vector<16xf32>
      tpu.vector_store %arg17[%swap3A], %swap3A_1580 {strides = array<i32>} : memref<512xf32, #tpu.memory_space<vmem>>, vector<16xf32>,
    }
    %scan3A_259 = arith.constant 32 : i32
    "tpu.region"() ({
      %run_scoped3A = tpu.sem_alloc : memref<!tpu.dma_semaphore, #tpu.memory_space<semaphore_mem>>
      %dma_start3A_260 = tpu.memref_slice %arg9[%mul3A_2] : memref<16384xf32, #tpu.memory_space<hbm>> -> memref<512xf32, #tpu.memory_space<hbm>>
      %dma_start3A_261 = tpu.memref_slice %arg9[%mul3A_2] : memref<16384xf32, #tpu.memory_space<hbm>> -> memref<512xf32, #tpu.memory_space<hbm>>
      tpu.enqueue_dma source(%arg17 : memref<512xf32, #tpu.memory_space<vmem>>) target(%dma_start3A_261 : memref<512xf32, #tpu.memory_space<hbm>>) target_semaphore(%run_scoped3A : memref<!tpu.dma_semaphore, #tpu.memory_space<semaphore_mem>>)
      %dma_wait3A_262 = tpu.memref_slice %arg9[%mul3A_2] : memref<16384xf32, #tpu.memory_space<hbm>> -> memref<512xf32, #tpu.memory_space<hbm>>
      %dma_wait3A_263 = tpu.memref_slice %arg9[%mul3A_2] : memref<16384xf32, #tpu.memory_space<hbm>> -> memref<512xf32, #tpu.memory_space<hbm>>
      tpu.wait_dma2 semaphore(%run_scoped3A : memref<!tpu.dma_semaphore, #tpu.memory_space<semaphore_mem>>) src(%arg17 : memref<512xf32, #tpu.memory_space<vmem>>) dst(%dma_wait3A_263 : memref<512xf32, #tpu.memory_space<hbm>>)
      tpu.yield
    }) : () -> ()
    return
  }
}

</mosaic_0001>

<sc_bundles>
// kernel: kernel.3.cloned.1.call-start
scs
__scs_entry_jumppad:
0x0: {  	(pc) =	sbr.rel $0x88, $3  }
0x1: {  	(tag) =	ssettag $0x0;
	lr =	simm.s32 $0x1  }
0x2: {  	[smem:$0x3F9A] =	sst lr;
	_ =	strace $0xD0000000  }
0x3: {  	_ = 	snop  }
0x4: {  	_ = 	snop  }
0x5: {  	_ = 	snop  }
0x6: {  	_ = 	snop  }
0x7: {  	_ = 	snop  }
__scs_overlays_trampoline_lowered:
0x8: {  	[smem:$0x3FA9] =	sst s0  }
0x9: {  	[smem:$0x3FAA] =	sst s1  }
0xa: {  	[smem:$0x3FAB] =	sst s2  }
0xb: {  	[smem:$0x3FAC] =	sst s3  }
0xc: {  	[smem:$0x3FAD] =	sst s4  }
0xd: {  	[smem:$0x3FAE] =	sst s5  }
0xe: {  	[smem:$0x3FAF] =	sst s6  }
0xf: {  	[smem:$0x3FB0] =	sst s7  }
0x10: {  	[smem:$0x3FB1] =	sst s8  }
0x11: {  	[smem:$0x3FB2] =	sst s9;
	s0 =	simm.s32 @!p0 $0x0  }
0x12: {  	s1 =	sld [smem:$0x3F98];
	s0 =	simm.s32 @p0 $0x1  }
0x13: {  	[smem:$0x3FB3] =	sst s0;
	s0 =	simm.s32 @!p1 $0x0  }
0x14: {  	s2 =	sld [smem:$0x3F97];
	s0 =	simm.s32 @p1 $0x1  }
0x15: {  	[smem:$0x3FB4] =	sst s0;
	s0 =	simm.s32 @!p2 $0x0  }
0x16: {  	s3 =	sld [smem:$0x3FDB];
	s0 =	simm.s32 @p2 $0x1  }
0x17: {  	s4 =	simm.s32 $0x1BF5;
	[smem:$0x3FB6] =	sst s0  }
0x18: {  	s0 =	sld [smem:$0x3F99];
	_ =	swait.ge [sflag:s4], $0x0  }
0x19: {  	s7 =	sld [smem:$0x3F9A]  }
0x1a: {  	s8 =	sadd.s32 $0xFFFFE003, lr  }
0x1b: {  	s9 =	sadd.s32 $0xFFFFFEF7, lr;
	s5 =	simm.s32 $0xFFFFFFFF;
	p2 =	slt.u32 s8, $0xFFFFF086  }
0x1c: {  	p1 =	slt.u32 s9, $0xF7A;
	s5 =	simm.s32 @!p2 $0x0  }
0x1d: {  	s5 =	simm.s32 @p1 $0x1;
	p0 =	seq.s32 s7, s2  }
0x1e: {  	s7 =	smul.u32 @!p0 $0xF7A, s2;
	p2 =	seq.s32 @!p0 s5, $0x0  }
0x1f: {  	s9 =	smul.u32 $0xF7A, s1;
	s8 =	simm.s32 @!p0 $0x1BF5;
	p2 =	por !p2, p0  }
0x20: {  	[sflag:s8] =	ssyncset.s32 @!p0 $0xFFFFF086;
	s6 =	sadd.s32 @!p0 s3, s7;
	s7 =	simm.s32 @!p0 $0x108  }
0x21: {  	s3 =	sadd.s32 s3, s9;
	s6 =	sadd.s32 @!p0 $0x88, s6;
	s7 =	simm.s32 @p2 $0x1082  }
0x22: {  	[simem:s7], [sflag:s8] =	dma.local @!p0 [hbm:s6], $0xF7A  }
0x23: {  	s9 =	sor.u32 $0xD0000000, s2;
	s6 =	simm.s32 $0x108;
	_ =	swait.ge @!p0 [sflag:s8], $0x0  }
0x24: {  	s3 =	sadd.s32 $0x88, s3;
	s6 =	simm.s32 @!p1 $0x1082;
	[sflag:s4] =	ssyncset.s32 $0xFFFFF086  }
0x25: {  	[simem:s6], [sflag:s4] =	dma.local [hbm:s3], $0xF7A  }
0x26: {  	[smem:$0x3F9A] =	sst s1;
	(tag) =	ssettag s2;
	_ =	strace s9  }
0x27: {  	s1 =	sld [smem:$0x3FAA]  }
0x28: {  	s2 =	sld [smem:$0x3FAB]  }
0x29: {  	s4 =	sld [smem:$0x3FAD]  }
0x2a: {  	p0 =	seq.s32 s5, $0x0;
	s5 =	sld [smem:$0x3FAE]  }
0x2b: {  	s6 =	sld [smem:$0x3FAF]  }
0x2c: {  	s7 =	sld [smem:$0x3FB0]  }
0x2d: {  	s3 =	simm.s32 $0x108;
	s8 =	sld [smem:$0x3FB1]  }
0x2e: {  	s3 =	simm.s32 @!p0 $0x1082;
	s9 =	sld [smem:$0x3FB2]  }
0x2f: {  	lr =	sadd.s32 s0, s3;
	s0 =	sld [smem:$0x3FA9]  }
0x30: {  	s3 =	sld [smem:$0x3FAC]  }
0x31: {  	[smem:$0x3FB5] =	sst s10  }
0x32: {  	s10 =	sld [smem:$0x3FB3];
	_ =	sdelay $0x3  }
0x33: {  	p0 =	seq.s32 s10, $0x1;
	s10 =	sld [smem:$0x3FB5];
	_ =	sdelay $0x3  }
0x34: {  	[smem:$0x3FB5] =	sst s10  }
0x35: {  	s10 =	sld [smem:$0x3FB4];
	_ =	sdelay $0x3  }
0x36: {  	p1 =	seq.s32 s10, $0x1;
	s10 =	sld [smem:$0x3FB5];
	_ =	sdelay $0x3  }
0x37: {  	[smem:$0x3FB5] =	sst s10  }
0x38: {  	s10 =	sld [smem:$0x3FB6]  }
0x39: {  	_ = 	snop;
	(pc) =	sbr.ind lr, $3  }
0x3a: {  	_ = 	snop  }
0x3b: {  	_ = 	snop  }
0x3c: {  	p2 =	seq.s32 s10, $0x1;
	s10 =	sld [smem:$0x3FB5]  }
0x3d: {  	_ =	shalt  }
0x3e: {  	_ =	shalt  }
0x3f: {  	_ =	shalt  }
0x40: {  	_ =	shalt  }
0x41: {  	_ =	shalt  }
0x42: {  	_ =	shalt  }
0x43: {  	_ =	shalt  }
0x44: {  	_ =	shalt  }
0x45: {  	_ =	shalt  }
0x46: {  	_ =	shalt  }
0x47: {  	_ =	shalt  }
0x48: {  	_ =	shalt  }
0x49: {  	_ =	shalt  }
0x4a: {  	_ =	shalt  }
0x4b: {  	_ =	shalt  }
0x4c: {  	_ =	shalt  }
0x4d: {  	_ =	shalt  }
0x4e: {  	_ =	shalt  }
0x4f: {  	_ =	shalt  }
0x50: {  	_ =	shalt  }
0x51: {  	_ =	shalt  }
0x52: {  	_ =	shalt  }
0x53: {  	_ =	shalt  }
0x54: {  	_ =	shalt  }
0x55: {  	_ =	shalt  }
0x56: {  	_ =	shalt  }
0x57: {  	_ =	shalt  }
0x58: {  	_ =	shalt  }
0x59: {  	_ =	shalt  }
0x5a: {  	_ =	shalt  }
0x5b: {  	_ =	shalt  }
0x5c: {  	_ =	shalt  }
0x5d: {  	_ =	shalt  }
0x5e: {  	_ =	shalt  }
0x5f: {  	_ =	shalt  }
0x60: {  	_ =	shalt  }
0x61: {  	_ =	shalt  }
0x62: {  	_ =	shalt  }
0x63: {  	_ =	shalt  }
0x64: {  	_ =	shalt  }
0x65: {  	_ =	shalt  }
0x66: {  	_ =	shalt  }
0x67: {  	_ =	shalt  }
0x68: {  	_ =	shalt  }
0x69: {  	_ =	shalt  }
0x6a: {  	_ =	shalt  }
0x6b: {  	_ =	shalt  }
0x6c: {  	_ =	shalt  }
0x6d: {  	_ =	shalt  }
0x6e: {  	_ =	shalt  }
0x6f: {  	_ =	shalt  }
0x70: {  	_ =	shalt  }
0x71: {  	_ =	shalt  }
0x72: {  	_ =	shalt  }
0x73: {  	_ =	shalt  }
0x74: {  	_ =	shalt  }
0x75: {  	_ =	shalt  }
0x76: {  	_ =	shalt  }
0x77: {  	_ =	shalt  }
0x78: {  	_ =	shalt  }
0x79: {  	_ =	shalt  }
0x7a: {  	_ =	shalt  }
0x7b: {  	_ =	shalt  }
0x7c: {  	_ =	shalt  }
0x7d: {  	_ =	shalt  }
0x7e: {  	_ =	shalt  }
0x7f: {  	_ =	shalt  }
0x80: {  	_ =	shalt  }
0x81: {  	_ =	shalt  }
0x82: {  	_ =	shalt  }
0x83: {  	_ =	shalt  }
0x84: {  	_ =	shalt  }
0x85: {  	_ =	shalt  }
0x86: {  	_ =	shalt  }
0x87: {  	_ =	shalt  }
.Lfunc_end0:
.L_simem_size_0:
called_computation_lowered:
.L_overlay_start_0:
0x88: {  	s2 =	sld [smem:$0x3FD9]  }
0x89: {  	s3 =	sld [smem:$0x3FFE];
	_ =	sdelay $0x1  }
0x8a: {  	s1 =	srdreg.scid  }
0x8b: {  	s0 =	sand.u32 $0x1, s1  }
0x8c: {  	s17 =	sshll.u32 s0, $0xA;
	s2 =	sadd.s32 s3, s2  }
0x8d: {  	s2 =	sadd.s32 s2, s17  }
0x8e: {  	[smem:$0x3FC1] =	sst s2  }
0x8f: {  	_ = 	snop  }
0x90: {  	s2 =	sld [smem:$0x3FC9]  }
0x91: {  	s18 =	sld [smem:$0x3FC8]  }
0x92: {  	s4 =	sld [smem:$0x3FC5]  }
0x93: {  	s5 =	sld [smem:$0x3FC4]  }
0x94: {  	s6 =	sld [smem:$0x3FD0];
	(tm) =	ssettm $0x1  }
0x95: {  	s7 =	sld [smem:$0x3FFB];
	_ =	sdelay $0x3  }
0x96: {  	_ =	strace s7  }
0x97: {  	s7 =	sld [smem:$0x3FFC];
	_ =	sdelay $0x3  }
0x98: {  	_ =	strace s7  }
0x99: {  	s7 =	sld [smem:$0x3FFD];
	_ =	sdelay $0x3  }
0x9a: {  	_ =	strace s7  }
0x9b: {  	_ =	strace $0x8FFFFFFF  }
0x9c: {  	s19 =	sld [smem:$0x3FDB];
	_ =	sdelay $0x1  }
0x9d: {  	s8 =	simm.s32 $_scs_section_size  }
0x9e: {  	s9 =	simm.s32 $_size__tile_overlayer_lowered;
	s10 =	simm.s32 $_tile_overlayer_lowered  }
0x9f: {  	s22 =	simm.s32 $0x1BFF;
	s21 =	sshll.u32 s10, $0x1;
	s7 =	sadd.s32 s8, s19  }
0xa0: {  	s11 =	simm.s32 $0x0;
	s20 =	sshll.u32 s9, $0x1;
	s9 =	sadd.s32 s21, s7  }
0xa1: {  	[timem:s11], [sflag:s22] =	dma.local [hbm:s9], s20  }
0xa2: {  	_ =	swait.ge [sflag:s22], s20  }
0xa3: {  	s8 =	ssub.s32 $0x0, s20;
	[sflag:s22] =	ssyncset.done $0x0  }
0xa4: {  	[sflag:s22] =	ssyncadd.s32 s8;
	_ =	sdelay $0x1  }
0xa5: {  	s23 =	simm.s32 $0x1B8B  }
0xa6: {  	_ =	swait.ge [sflag:s23], $0x1  }
0xa7: {  	[sflag:s23] =	ssyncset.done $0x0  }
0xa8: {  	s25 =	simm.s32 $0x1B8E;
	s24 =	sld [smem:$0x3FFE];
	[sflag:s23] =	ssyncadd.s32 $0xFFFFFFFF  }
0xa9: {  	s26 =	simm.s32 $execute0_lowered;
	[smem:$0x3FD2] =	sst s25  }
0xaa: {  	s9 =	sshll.u32 s26, $0x1;
	_ =	strace $0x80000046;
	[dreg:$0x1] =	wrdreg $0xFFFFFFFF  }
0xab: {  	s28 =	simm.s32 $_size_execute0_lowered;
	s7 =	sadd.s32 s7, s9;
	[dreg:$0x0] =	wrdreg $0x0  }
0xac: {  	s9 =	sshll.u32 s28, $0x1;
	[dreg:$0x2] =	wrdreg s7  }
0xad: {  	[dreg:$0x3] =	wrdreg s9  }
0xae: {  	[dreg:$0x4] =	wrdreg $0xC0  }
0xaf: {  	_ =	task [dreg:s11], $0x5FFFF  }
0xb0: {  	[dreg:$0x1] =	wrdreg $0xFFFFFFFF  }
0xb1: {  	[dreg:$0x0] =	wrdreg $0x60  }
0xb2: {  	[dreg:$0x2] =	wrdreg s2  }
0xb3: {  	[dreg:$0x3] =	wrdreg s18  }
0xb4: {  	[dreg:$0x4] =	wrdreg s24  }
0xb5: {  	[dreg:$0x5] =	wrdreg s4  }
0xb6: {  	[dreg:$0x6] =	wrdreg s5  }
0xb7: {  	[dreg:$0x7] =	wrdreg s6  }
0xb8: {  	[dreg:$0x8] =	wrdreg $0x9  }
0xb9: {  	_ =	task.clear_ibuf [dreg:s11], $0x9FFFF;
	_ =	strace $0x90000046  }
0xba: {  	s29 =	simm.s32 $0x9;
	_ =	strace $0x80000048  }
0xbb: {  	_ =	swait.ge [sflag:s29], $0x1  }
0xbc: {  	[sflag:s29] =	ssyncadd.s32 $0xFFFFFFFF  }
0xbd: {  	_ =	strace $0x90000048  }
0xbe: {  	_ =	sfence  }
0xbf: {  	s30 =	sld [smem:$0x0];
	_ =	sdelay $0x2  }
0xc0: {  	s31 =	sshll.u32 s1, $0xD;
	s1 =	sshrl.u32 s1, $0x2  }
0xc1: {  	s3 =	sand.u32 $0x4000, s31;
	s1 =	sadd.s32 s1, s30  }
0xc2: {  	s0 =	sor.u32 s3, s0;
	s1 =	sshll.u32 s1, $0x11  }
0xc3: {  	s0 =	sor.u32 s1, s0  }
0xc4: {  	s0 =	sadd.s32 $0x8F2B, s0  }
0xc5: {  	[sflag:s0] =	ssyncadd.remote.s32 $0x1  }
0xc6: {  	_ =	sfence.sel $0xFFFF  }
0xc7: {  	[dreg:$0x0] =	wrdreg $0xFFFFFFFF;
	(pc) =	sbr.abs _section_cstart, $3  }
0xc8: {  	[dreg:$0x1] =	wrdreg $0xFFFFFFFF  }
0xc9: {  	_ =	task.clear_ibuf [dreg:s11], $0x2FFFF;
	_ =	strace $0x9FFFFFFF  }
0xca: {  	(tm) =	ssettm $0x7FFFFFFF  }
0xcb: {  	_ =	shalt  }
tec
execute0_lowered:
.L_overlay_start_1:
0x0: {  	(tag) =	ssettag $0x1  }
0x1: {  	s0 =	rddreg [dreg:$0x0]  }
0x2: {  	s4 =	rddreg [dreg:$0x1]  }
0x3: {  	s7 =	rddreg [dreg:$0x2]  }
0x4: {  	s1 =	rddreg [dreg:$0x3]  }
0x5: {  	s2 =	rddreg [dreg:$0x4]  }
0x6: {  	s10 =	rddreg [dreg:$0x5];
	s3 =	simm.s32 $0x0;
	s8 =	srdreg.scid  }
0x7: {  	s11 =	stileid.u32;
	s13 =	simm.s32 $0x200;
	s15 =	simm.s32 $0x80  }
0x8: {  	s21 =	simm.s32 $0x280;
	s25 =	simm.s32 $0x100;
	s28 =	simm.s32 $0x300  }
0x9: {  	s31 =	simm.s32 $0x10700;
	s14 =	simm.s32 $0x380;
	s16 =	simm.s32 $0xE400  }
0xa: {  	s17 =	simm.s32 $0x10580;
	s18 =	simm.s32 $0x10780;
	s19 =	simm.s32 $0x1  }
0xb: {  	s20 =	simm.s32 $0x10810;
	s22 =	simm.s32 $0x0;
	[smem:$0x7FF] =	sst s3  }
0xc: {  	s5 =	sadd.s32 $0xF42A00, s7;
	s6 =	sadd.s32 $0x187000, s7;
	s8 =	sand.u32 $0x1, s8  }
0xd: {  	v0 =	vlaneseq.u32;
	s11 =	sshll.u32 s11, $0x7;
	s9 =	ssub.s32 $0x2, s8;
	s8 =	sshll.u32 s8, $0x6  }
0xe: {  	s7 =	sadd.s32 $0x600, s7;
	v0 =	vand.u32 $0x7, v0;
	s12 =	sshrl.u32 s9, $0x1;
	s11 =	sor.u32 s8, s11  }
0xf: {  	_ =	strace $0x80000047;
	v0 =	vmul.u32 $0x2, v0;
	s12 =	ssub.s32 s9, s12;
	s8 =	sadd.s32 s0, s11  }
0x10: {  	s9 =	sadd.s32 s4, s11;
	s10 =	sadd.s32 s10, s11;
	s0 =	simm.s32 $0x180  }
0x11: {  	vm0 =	vmmov $0xff;
	s4 =	simm.s32 $0x6400;
	v1 =	vor.u32 $0x1, v0;
	s11 =	smax.u32 s12, $0x1;
	s12 =	simm.s32 $0x2  }
.LBB2_1:
0x12: {  	[tilespmem:s3], [sflag:$0x2] =	stream.linear.gather [hbm4b:s8+s3], $0x200, $0x38;
	[tilespmem:$0x10A10] =	vst v63  }
0x13: {  	_ =	swait.ge [sflag:s12], $0x200  }
0x14: {  	[sflag:s12] =	ssyncset.done $0x0  }
0x15: {  	[sflag:s12] =	ssyncadd.s32 $0xFFFFFE00  }
0x16: {  	[tilespmem:s13], [sflag:$0x2] =	stream.linear.gather [hbm4b:s9+s3], $0x200, $0x38;
	[tilespmem:$0x10A10] =	vst v63  }
0x17: {  	_ =	swait.ge [sflag:s12], $0x200  }
0x18: {  	[sflag:s12] =	ssyncset.done $0x0  }
0x19: {  	s23 =	simm.s32 $0x10800;
	[sflag:s12] =	ssyncadd.s32 $0xFFFFFE00  }
0x1a: {  	[tilespmem:s23], [sflag:$0x2] =	stream.linear.gather [hbm4b:s7+s3], $0x10, $0x38;
	[tilespmem:$0x10A10] =	vst v63  }
0x1b: {  	_ =	swait.ge [sflag:s12], $0x10  }
0x1c: {  	[sflag:s12] =	ssyncset.done $0x0  }
0x1d: {  	s26 =	simm.s32 $0x400;
	[sflag:s12] =	ssyncadd.s32 $0xFFFFFFF0  }
0x1e: {  	[tilespmem:s26], [sflag:$0x1] =	stream.indirect.gather [hbm4b:s5+s15], $0x40, s3, s15, $0xb8;
	[tilespmem:$0x10A10] =	vst v63  }
0x1f: {  	s30 =	simm.s32 $0x8400  }
0x20: {  	[tilespmem:s30], [sflag:$0x1] =	stream.indirect.gather [hbm4b:s6+s15], $0x40, s13, s15, $0xb8;
	[tilespmem:$0x10A10] =	vst v63  }
0x21: {  	s24 =	simm.s32 $0x10400  }
0x22: {  	[tilespmem:s24], [sflag:$0x1] =	stream.indirect.gather [hbm4b:s1+s15], $0x1, s3, s15, $0xb8;
	[tilespmem:$0x10A10] =	vst v63  }
0x23: {  	s26 =	simm.s32 $0x10600  }
0x24: {  	[tilespmem:s26], [sflag:$0x1] =	stream.indirect.gather [hbm4b:s2+s15], $0x1, s13, s15, $0xb8;
	[tilespmem:$0x10A10] =	vst v63  }
0x25: {  	s30 =	simm.s32 $0x2400  }
0x26: {  	[tilespmem:s30], [sflag:$0x1] =	stream.indirect.gather [hbm4b:s5+s15], $0x40, s15, s15, $0xb8;
	[tilespmem:$0x10A10] =	vst v63  }
0x27: {  	s24 =	simm.s32 $0xA400  }
0x28: {  	[tilespmem:s24], [sflag:$0x1] =	stream.indirect.gather [hbm4b:s6+s15], $0x40, s21, s15, $0xb8;
	[tilespmem:$0x10A10] =	vst v63  }
0x29: {  	s26 =	simm.s32 $0x10480  }
0x2a: {  	[tilespmem:s26], [sflag:$0x1] =	stream.indirect.gather [hbm4b:s1+s15], $0x1, s15, s15, $0xb8;
	[tilespmem:$0x10A10] =	vst v63  }
0x2b: {  	s30 =	simm.s32 $0x10680  }
0x2c: {  	[tilespmem:s30], [sflag:$0x1] =	stream.indirect.gather [hbm4b:s2+s15], $0x1, s21, s15, $0xb8;
	[tilespmem:$0x10A10] =	vst v63  }
0x2d: {  	s24 =	simm.s32 $0x4400  }
0x2e: {  	[tilespmem:s24], [sflag:$0x1] =	stream.indirect.gather [hbm4b:s5+s15], $0x40, s25, s15, $0xb8;
	[tilespmem:$0x10A10] =	vst v63  }
0x2f: {  	s26 =	simm.s32 $0xC400  }
0x30: {  	[tilespmem:s26], [sflag:$0x1] =	stream.indirect.gather [hbm4b:s6+s15], $0x40, s28, s15, $0xb8;
	[tilespmem:$0x10A10] =	vst v63  }
0x31: {  	s30 =	simm.s32 $0x10500  }
0x32: {  	[tilespmem:s30], [sflag:$0x1] =	stream.indirect.gather [hbm4b:s1+s15], $0x1, s25, s15, $0xb8;
	[tilespmem:$0x10A10] =	vst v63  }
0x33: {  	_ = 	snop  }
0x34: {  	[tilespmem:s31], [sflag:$0x1] =	stream.indirect.gather [hbm4b:s2+s15], $0x1, s28, s15, $0xb8;
	[tilespmem:$0x10A10] =	vst v63  }
0x35: {  	_ = 	snop  }
0x36: {  	[tilespmem:s4], [sflag:$0x1] =	stream.indirect.gather [hbm4b:s5+s15], $0x40, s0, s15, $0xb8;
	[tilespmem:$0x10A10] =	vst v63  }
0x37: {  	_ = 	snop  }
0x38: {  	[tilespmem:s16], [sflag:$0x1] =	stream.indirect.gather [hbm4b:s6+s15], $0x40, s14, s15, $0xb8;
	[tilespmem:$0x10A10] =	vst v63  }
0x39: {  	_ = 	snop  }
0x3a: {  	[tilespmem:s17], [sflag:$0x1] =	stream.indirect.gather [hbm4b:s1+s15], $0x1, s0, s15, $0xb8;
	[tilespmem:$0x10A10] =	vst v63  }
0x3b: {  	_ = 	snop  }
0x3c: {  	[tilespmem:s18], [sflag:$0x1] =	stream.indirect.gather [hbm4b:s2+s15], $0x1, s14, s15, $0xb8;
	[tilespmem:$0x10A10] =	vst v63  }
0x3d: {  	_ =	swait.ge [sflag:s19], $0x2000  }
0x3e: {  	[sflag:s19] =	ssyncset.done $0x0  }
0x3f: {  	[sflag:s19] =	ssyncadd.s32 $0xFFFFE000  }
0x40: {  	_ =	swait.ge [sflag:s19], $0x2000  }
0x41: {  	[sflag:s19] =	ssyncset.done $0x0  }
0x42: {  	[sflag:s19] =	ssyncadd.s32 $0xFFFFE000  }
0x43: {  	_ =	swait.ge [sflag:s19], $0x80  }
0x44: {  	[sflag:s19] =	ssyncset.done $0x0  }
0x45: {  	[sflag:s19] =	ssyncadd.s32 $0xFFFFFF80  }
0x46: {  	_ =	swait.ge [sflag:s19], $0x80  }
0x47: {  	[sflag:s19] =	ssyncset.done $0x0  }
0x48: {  	[sflag:s19] =	ssyncadd.s32 $0xFFFFFF80  }
0x49: {  	_ =	swait.ge [sflag:s19], $0x2000  }
0x4a: {  	[sflag:s19] =	ssyncset.done $0x0  }
0x4b: {  	[sflag:s19] =	ssyncadd.s32 $0xFFFFE000  }
0x4c: {  	_ =	swait.ge [sflag:s19], $0x2000  }
0x4d: {  	[sflag:s19] =	ssyncset.done $0x0  }
0x4e: {  	[sflag:s19] =	ssyncadd.s32 $0xFFFFE000  }
0x4f: {  	_ =	swait.ge [sflag:s19], $0x80  }
0x50: {  	[sflag:s19] =	ssyncset.done $0x0  }
0x51: {  	[sflag:s19] =	ssyncadd.s32 $0xFFFFFF80  }
0x52: {  	_ =	swait.ge [sflag:s19], $0x80  }
0x53: {  	[sflag:s19] =	ssyncset.done $0x0  }
0x54: {  	[sflag:s19] =	ssyncadd.s32 $0xFFFFFF80  }
0x55: {  	_ =	swait.ge [sflag:s19], $0x2000  }
0x56: {  	[sflag:s19] =	ssyncset.done $0x0  }
0x57: {  	[sflag:s19] =	ssyncadd.s32 $0xFFFFE000  }
0x58: {  	_ =	swait.ge [sflag:s19], $0x2000  }
0x59: {  	[sflag:s19] =	ssyncset.done $0x0  }
0x5a: {  	[sflag:s19] =	ssyncadd.s32 $0xFFFFE000  }
0x5b: {  	_ =	swait.ge [sflag:s19], $0x80  }
0x5c: {  	[sflag:s19] =	ssyncset.done $0x0  }
0x5d: {  	[sflag:s19] =	ssyncadd.s32 $0xFFFFFF80  }
0x5e: {  	_ =	swait.ge [sflag:s19], $0x80  }
0x5f: {  	[sflag:s19] =	ssyncset.done $0x0  }
0x60: {  	[sflag:s19] =	ssyncadd.s32 $0xFFFFFF80  }
0x61: {  	_ =	swait.ge [sflag:s19], $0x2000  }
0x62: {  	[sflag:s19] =	ssyncset.done $0x0  }
0x63: {  	[sflag:s19] =	ssyncadd.s32 $0xFFFFE000  }
0x64: {  	_ =	swait.ge [sflag:s19], $0x2000  }
0x65: {  	[sflag:s19] =	ssyncset.done $0x0  }
0x66: {  	[sflag:s19] =	ssyncadd.s32 $0xFFFFE000  }
0x67: {  	_ =	swait.ge [sflag:s19], $0x80  }
0x68: {  	[sflag:s19] =	ssyncset.done $0x0  }
0x69: {  	[sflag:s19] =	ssyncadd.s32 $0xFFFFFF80  }
0x6a: {  	_ =	swait.ge [sflag:s19], $0x80  }
0x6b: {  	[sflag:s19] =	ssyncset.done $0x0  }
0x6c: {  	[sflag:s19] =	ssyncadd.s32 $0xFFFFFF80  }
0x6d: {  	s23 =	simm.s32 $0x600;
	v2 =	vld [tilespmem:$0x10800]  }
0x6e: {  	s24 =	simm.s32 $0x8600;
	v31 =	vld [tilespmem:s23+$0x30]  }
0x6f: {  	v28 =	vld [tilespmem:s24+$0x30]  }
0x70: {  	v22 =	vld [tilespmem:s23+$0x70]  }
0x71: {  	v21 =	vld [tilespmem:s24+$0x70]  }
0x72: {  	v29 =	vld [tilespmem:s23+$0xB0]  }
0x73: {  	v23 =	vld [tilespmem:s24+$0xB0]  }
0x74: {  	v24 =	vld [tilespmem:s23+$0xF0]  }
0x75: {  	v25 =	vld [tilespmem:s24+$0xF0]  }
0x76: {  	v26 =	vld [tilespmem:s23+$0x130]  }
0x77: {  	v27 =	vld [tilespmem:s24+$0x130]  }
0x78: {  	v33 =	vld [tilespmem:s23+$0x170]  }
0x79: {  	v34 =	vld [tilespmem:s24+$0x170]  }
0x7a: {  	v32 =	vld [tilespmem:s24+$0x1B0]  }
0x7b: {  	v30 =	vld [tilespmem:s23+$0x20]  }
0x7c: {  	v35 =	vld [tilespmem:s24+$0x20]  }
0x7d: {  	v36 =	vld [tilespmem:s23+$0x60]  }
0x7e: {  	v37 =	vld [tilespmem:s24+$0x60]  }
0x7f: {  	v38 =	vld [tilespmem:s23+$0xA0]  }
0x80: {  	v39 =	vld [tilespmem:s24+$0xA0]  }
0x81: {  	v40 =	vld [tilespmem:s23+$0xE0]  }
0x82: {  	v41 =	vld [tilespmem:s24+$0xE0]  }
0x83: {  	v42 =	vld [tilespmem:s23+$0x120]  }
0x84: {  	v43 =	vld [tilespmem:s24+$0x120]  }
0x85: {  	v44 =	vld [tilespmem:s23+$0x160]  }
0x86: {  	v45 =	vld [tilespmem:s24+$0x160]  }
0x87: {  	v46 =	vld [tilespmem:s23+$0x1A0]  }
0x88: {  	v47 =	vld [tilespmem:s24+$0x1A0]  }
0x89: {  	v48 =	vld [tilespmem:s23+$0x1E0]  }
0x8a: {  	v49 =	vld [tilespmem:s24+$0x1E0]  }
0x8b: {  	v50 =	vld [tilespmem:s23+$0x0]  }
0x8c: {  	v51 =	vld [tilespmem:s24+$0x0]  }
0x8d: {  	v52 =	vld [tilespmem:s23+$0x10]  }
0x8e: {  	v53 =	vld [tilespmem:s24+$0x10]  }
0x8f: {  	v54 =	vld [tilespmem:s23+$0x40]  }
0x90: {  	v55 =	vld [tilespmem:s24+$0x40]  }
0x91: {  	v56 =	vld [tilespmem:s23+$0x50]  }
0x92: {  	v57 =	vld [tilespmem:s24+$0x50]  }
0x93: {  	v58 =	vld [tilespmem:s23+$0x80]  }
0x94: {  	v59 =	vld [tilespmem:s24+$0x80]  }
0x95: {  	[tilespmem:$0x1FED0] =	vst v2;
	v2 =	vld [tilespmem:s23+$0x1B0]  }
0x96: {  	v60 =	vld [tilespmem:s23+$0x90]  }
0x97: {  	v61 =	vld [tilespmem:s24+$0x90]  }
0x98: {  	v62 =	vld [tilespmem:s23+$0xC0]  }
0x99: {  	v63 =	vld [tilespmem:s24+$0xC0]  }
0x9a: {  	[tilespmem:$0x1FEE0] =	vst v2;
	v2 =	vld [tilespmem:s23+$0x1F0]  }
0x9b: {  	v18 =	vld [tilespmem:s23+$0xD0]  }
0x9c: {  	v14 =	vld [tilespmem:s24+$0xD0]  }
0x9d: {  	v17 =	vld [tilespmem:s23+$0x100]  }
0x9e: {  	v12 =	vld [tilespmem:s24+$0x100]  }
0x9f: {  	[tilespmem:$0x1FEF0] =	vst v2;
	v2 =	vld [tilespmem:s24+$0x1F0]  }
0xa0: {  	v13 =	vld [tilespmem:s23+$0x110]  }
0xa1: {  	v10 =	vld [tilespmem:s24+$0x110]  }
0xa2: {  	v16 =	vld [tilespmem:s23+$0x140]  }
0xa3: {  	v8 =	vld [tilespmem:s24+$0x140]  }
0xa4: {  	[tilespmem:$0x1FF00] =	vst v2;
	v2 =	vld [tilespmem:s24+$0xFFFFFFF0]  }
0xa5: {  	v9 =	vld [tilespmem:s23+$0x150]  }
0xa6: {  	v6 =	vld [tilespmem:s24+$0x150]  }
0xa7: {  	v7 =	vld [tilespmem:s23+$0x180]  }
0xa8: {  	v4 =	vld [tilespmem:s24+$0x180]  }
0xa9: {  	[tilespmem:$0x1FF10] =	vst v2;
	v2 =	vld [tilespmem:s23+$0xFFFFFFF0]  }
0xaa: {  	v5 =	vld [tilespmem:s23+$0x190]  }
0xab: {  	v3 =	vld [tilespmem:s24+$0x190]  }
0xac: {  	v15 =	vld [tilespmem:s23+$0x1C0]  }
0xad: {  	v11 =	vld [tilespmem:s24+$0x1C0]  }
0xae: {  	[tilespmem:$0x1FF20] =	vst v2;
	v2 =	vld [tilespmem:s24+$0xFFFFFFB0]  }
0xaf: {  	v20 =	vld [tilespmem:s23+$0x1D0]  }
0xb0: {  	v19 =	vld [tilespmem:s24+$0x1D0]  }
0xb1: {  	v21 =	vmul.f32 v21, v22;
	v22 =	vld [tilespmem:s24+$0xFFFFFFE0]  }
0xb2: {  	v29 =	vmul.f32 v23, v29;
	v23 =	vld [tilespmem:s23+$0xFFFFFFE0]  }
0xb3: {  	v28 =	vmul.f32 v28, v31;
	[tilespmem:$0x1FF50] =	vst v2;
	v2 =	vld [tilespmem:s23+$0xFFFFFFB0]  }
0xb4: {  	v31 =	vmul.f32 v25, v24;
	v24 =	vmul.f32 v27, v26;
	v26 =	vld [tilespmem:s24+$0xFFFFFFA0]  }
0xb5: {  	v38 =	vmul.f32 v39, v38;
	v39 =	vld [tilespmem:s23+$0xFFFFFFA0]  }
0xb6: {  	v25 =	vmul.f32 v35, v30;
	v27 =	vmul.f32 v51, v50;
	v51 =	vld [tilespmem:s24+$0xFFFFFF60]  }
0xb7: {  	v36 =	vmul.f32 v37, v36;
	v30 =	vmul.f32 v53, v52;
	v37 =	vld [tilespmem:s23+$0xFFFFFF60]  }
0xb8: {  	v50 =	vmul.f32 v55, v54;
	v57 =	vmul.f32 v57, v56;
	[tilespmem:$0x1FF60] =	vst v2;
	v2 =	vld [tilespmem:s24+$0xFFFFFF70]  }
0xb9: {  	v59 =	vmul.f32 v59, v58;
	v60 =	vmul.f32 v61, v60;
	v61 =	vld [tilespmem:s24+$0xFFFFFF20]  }
0xba: {  	v62 =	vmul.f32 v63, v62;
	v14 =	vmul.f32 v14, v18;
	v18 =	vld [tilespmem:s23+$0xFFFFFF20]  }
0xbb: {  	v17 =	vmul.f32 v12, v17;
	v10 =	vmul.f32 v10, v13;
	v13 =	vld [tilespmem:s24+$0xFFFFFEF0]  }
0xbc: {  	v8 =	vmul.f32 v8, v16;
	v6 =	vmul.f32 v6, v9;
	v12 =	vld [tilespmem:s24+$0xFFFFFEE0]  }
0xbd: {  	v4 =	vmul.f32 v4, v7;
	v3 =	vmul.f32 v3, v5;
	v7 =	vadd.f32 v30, v27;
	[tilespmem:$0x1FF30] =	vst v2;
	v2 =	vld [tilespmem:s23+$0xFFFFFF70]  }
0xbe: {  	v5 =	vld [tilespmem:s23+$0xFFFFFEE0];
	v11 =	vmul.f32 v11, v15;
	v9 =	vadd.f32 v57, v50;
	v16 =	vadd.f32 v60, v59  }
0xbf: {  	v15 =	vld [tilespmem:s24+$0xFFFFFEA0];
	v19 =	vmul.f32 v19, v20;
	v14 =	vadd.f32 v14, v62;
	v10 =	vadd.f32 v10, v17  }
0xc0: {  	v20 =	vmul.f32 v41, v40;
	v6 =	vadd.f32 v6, v8;
	v17 =	vadd.f32 v3, v4;
	v4 =	vld [tilespmem:$0x1FEE0]  }
0xc1: {  	v63 =	vld [tilespmem:s23+$0xFFFFFFC0];
	v8 =	vmul.f32 v43, v42;
	v11 =	vadd.f32 v19, v11;
	v7 =	vadd.f32 v25, v7  }
0xc2: {  	v19 =	vmul.f32 v45, v44;
	v9 =	vadd.f32 v36, v9;
	v16 =	vadd.f32 v38, v16;
	[tilespmem:$0x1FF40] =	vst v2;
	v2 =	vld [tilespmem:s24+$0xFFFFFF30]  }
0xc3: {  	v53 =	vld [tilespmem:s23+$0xFFFFFF50];
	v14 =	vadd.f32 v20, v14;
	v20 =	vmul.f32 v47, v46;
	v8 =	vadd.f32 v8, v10  }
0xc4: {  	v54 =	vld [tilespmem:s24+$0xFFFFFF10];
	v6 =	vadd.f32 v19, v6;
	v25 =	vmul.f32 v34, v33;
	v7 =	vadd.f32 v28, v7  }
0xc5: {  	v17 =	vadd.f32 v20, v17;
	v9 =	vadd.f32 v21, v9;
	v28 =	vmul.f32 v32, v4;
	v4 =	vld [tilespmem:$0x1FEF0]  }
0xc6: {  	v16 =	vadd.f32 v29, v16;
	v29 =	vperm.xlane v7, v0;
	v7 =	vperm.xlane v7, v1;
	v21 =	vld [tilespmem:$0x1FF00]  }
0xc7: {  	v14 =	vadd.f32 v31, v14;
	v31 =	vperm.xlane v9, v0;
	v9 =	vperm.xlane v9, v1;
	[tilespmem:$0x1FF90] =	vst v2;
	v2 =	vld [tilespmem:s23+$0xFFFFFF30]  }
0xc8: {  	v55 =	vld [tilespmem:s24+$0xFFFFFF00];
	v8 =	vadd.f32 v24, v8;
	v24 =	vperm.xlane v16, v0;
	v16 =	vperm.xlane v16, v1  }
0xc9: {  	v56 =	vld [tilespmem:s23+$0xFFFFFF00];
	v6 =	vadd.f32 v25, v6;
	v25 =	vperm.xlane v14, v0;
	v14 =	vperm.xlane v14, v1  }
0xca: {  	v40 =	vld [tilespmem:s23+$0xFFFFFE90];
	v10 =	vmul.f32 v49, v48;
	v7 =	vadd.f32 v7, v29;
	v9 =	vadd.f32 v9, v31  }
0xcb: {  	v35 =	vld [tilespmem:s24+$0xFFFFFE10];
	v16 =	vadd.f32 v16, v24;
	v14 =	vadd.f32 v14, v25  }
0xcc: {  	v10 =	vadd.f32 v10, v11;
	v21 =	vmul.f32 v21, v4;
	[tilespmem:$0x1FFA0] =	vst v2;
	v2 =	vld [tilespmem:s23+$0xFFFFFEF0]  }
0xcd: {  	v19 =	vld [tilespmem:s24+$0xFFFFFFD0];
	v7 =	vsel vm0, v7, v9;
	v14 =	vsel vm0, v16, v14;
	v17 =	vadd.f32 v28, v17  }
0xce: {  	v20 =	vld [tilespmem:s23+$0xFFFFFFD0];
	v16 =	vperm.xlane v7, v0;
	v7 =	vperm.xlane v7, v1;
	v10 =	vadd.f32 v21, v10  }
0xcf: {  	v52 =	vperm.xlane v17, v0;
	v17 =	vperm.xlane v17, v1;
	v4 =	vld [tilespmem:$0x1FF10]  }
0xd0: {  	v7 =	vadd.f32 v7, v16;
	v24 =	vperm.xlane v10, v0;
	v10 =	vperm.xlane v10, v1;
	v16 =	vld [tilespmem:$0x1FF20]  }
0xd1: {  	[tilespmem:$0x1FFF0] =	vst v2;
	v2 =	vld [tilespmem:s24+$0xFFFFFEB0]  }
0xd2: {  	v50 =	vld [tilespmem:s23+$0xFFFFFEA0];
	v9 =	vadd.f32 v17, v52;
	v10 =	vadd.f32 v10, v24  }
0xd3: {  	v27 =	vld [tilespmem:s24+$0xFFFFFE60];
	v21 =	vperm.xlane v6, v0;
	v6 =	vperm.xlane v6, v1  }
0xd4: {  	v30 =	vld [tilespmem:s23+$0xFFFFFE60];
	v17 =	vmul.f32 v19, v20;
	v20 =	vsel vm0, v9, v10;
	v9 =	vperm.xlane v14, v0  }
0xd5: {  	v6 =	vadd.f32 v6, v21;
	v14 =	vperm.xlane v14, v1;
	v21 =	vmul.f32 v4, v16;
	v4 =	vld [tilespmem:$0x1FF30]  }
0xd6: {  	[tilespmem:$0x1FF70] =	vst v2;
	v2 =	vld [tilespmem:s23+$0xFFFFFEB0]  }
0xd7: {  	v19 =	vmul.f32 v22, v23;
	v23 =	vadd.f32 v14, v9;
	v9 =	vld [tilespmem:$0x1FF40]  }
0xd8: {  	v3 =	vld [tilespmem:s24+$0xFFFFFE20]  }
0xd9: {  	v45 =	vld [tilespmem:s24+$0xFFFFFF90]  }
0xda: {  	v46 =	vld [tilespmem:s23+$0xFFFFFF90]  }
0xdb: {  	[tilespmem:$0x1FF80] =	vst v2;
	v2 =	vld [tilespmem:s24+$0xFFFFFE70]  }
0xdc: {  	v16 =	vmul.f32 v4, v9;
	v4 =	vld [tilespmem:$0x1FF50]  }
0xdd: {  	v9 =	vld [tilespmem:$0x1FF60]  }
0xde: {  	v47 =	vld [tilespmem:s24+$0xFFFFFF80]  }
0xdf: {  	v48 =	vld [tilespmem:s23+$0xFFFFFF80]  }
0xe0: {  	[tilespmem:$0x1FFD0] =	vst v2;
	v2 =	vld [tilespmem:s23+$0xFFFFFE70]  }
0xe1: {  	v49 =	vld [tilespmem:s24+$0xFFFFFF50];
	v28 =	vperm.xlane v8, v0  }
0xe2: {  	v8 =	vperm.xlane v8, v1;
	v22 =	vmul.f32 v4, v9;
	v4 =	vld [tilespmem:$0x1FF70]  }
0xe3: {  	v9 =	vld [tilespmem:$0x1FF80]  }
0xe4: {  	v33 =	vld [tilespmem:s23+$0xFFFFFED0];
	v8 =	vadd.f32 v8, v28  }
0xe5: {  	[tilespmem:$0x1FFE0] =	vst v2;
	v2 =	vld [tilespmem:s24+$0xFFFFFE30]  }
0xe6: {  	v34 =	vld [tilespmem:s24+$0xFFFFFEC0];
	v6 =	vsel vm0, v8, v6;
	v8 =	vmul.f32 v47, v48;
	v10 =	vmul.f32 v45, v46  }
0xe7: {  	v11 =	vld [tilespmem:s24+$0xFFFFFFC0]  }
0xe8: {  	v8 =	vadd.f32 v10, v8;
	v10 =	vmul.f32 v4, v9;
	v4 =	vld [tilespmem:$0x1FF90]  }
0xe9: {  	v9 =	vld [tilespmem:$0x1FFA0]  }
0xea: {  	[tilespmem:$0x1FFB0] =	vst v2;
	v2 =	vld [tilespmem:s23+$0xFFFFFE30]  }
0xeb: {  	v38 =	vld [tilespmem:s24+$0xFFFFFE90]  }
0xec: {  	v31 =	vld [tilespmem:s24+$0xFFFFFF40]  }
0xed: {  	v25 =	vld [tilespmem:s23+$0xFFFFFF40]  }
0xee: {  	v29 =	vld [tilespmem:s24+$0xFFFFFED0]  }
0xef: {  	v11 =	vmul.f32 v11, v63;
	v14 =	vmul.f32 v4, v9;
	v4 =	vld [tilespmem:$0x1FFB0];
	[tilespmem:$0x1FFC0] =	vst v2  }
0xf0: {  	v9 =	vld [tilespmem:$0x1FFC0]  }
0xf1: {  	v11 =	vadd.f32 v17, v11;
	v17 =	vmul.f32 v26, v39;
	v39 =	vld [tilespmem:s23+$0xFFFFFEC0]  }
0xf2: {  	v24 =	vld [tilespmem:s23+$0xFFFFFF10]  }
0xf3: {  	v57 =	vperm.xlane v20, v0;
	v58 =	vperm.xlane v20, v1;
	v20 =	vld [tilespmem:s23+$0xFFFFFE50]  }
0xf4: {  	v59 =	vmul.f32 v51, v37;
	v19 =	vadd.f32 v19, v11;
	v11 =	vld [tilespmem:$0x1FFE0]  }
0xf5: {  	v32 =	vmul.f32 v55, v56;
	v9 =	vmul.f32 v4, v9;
	v4 =	vld [tilespmem:$0x1FFD0]  }
0xf6: {  	v26 =	vperm.xlane v6, v0;
	v6 =	vperm.xlane v6, v1;
	v8 =	vadd.f32 v17, v8;
	v17 =	vld [tilespmem:s24+$0xFFFFFE80]  }
0xf7: {  	v25 =	vmul.f32 v31, v25;
	v24 =	vmul.f32 v54, v24;
	v28 =	vadd.f32 v21, v19;
	v19 =	vld [tilespmem:s23+$0xFFFFFE80]  }
0xf8: {  	v31 =	vmul.f32 v49, v53;
	v6 =	vadd.f32 v6, v26;
	v21 =	vmul.f32 v61, v18;
	v18 =	vld [tilespmem:s24+$0xFFFFFE50]  }
0xf9: {  	v32 =	vadd.f32 v24, v32;
	v24 =	vld [tilespmem:s23+$0xFFFFFE00];
	v26 =	vperm.xlane v28, v0;
	v60 =	vadd.f32 v22, v8  }
0xfa: {  	v61 =	vperm.xlane v28, v1;
	v11 =	vmul.f32 v4, v11;
	v4 =	vld [tilespmem:$0x1FFF0]  }
0xfb: {  	v28 =	vld [tilespmem:s23+$0xFFFFFE40];
	v62 =	vperm.xlane v60, v0;
	v37 =	vperm.xlane v60, v1  }
0xfc: {  	v63 =	vadd.f32 v61, v26;
	v26 =	vadd.f32 v31, v25;
	v2 =	vld [tilespmem:s23+$0xFFFFFE20]  }
0xfd: {  	v7 =	vsel vm0, v7, v23;
	v23 =	vmul.f32 v15, v50;
	v25 =	vld [tilespmem:s24+$0xFFFFFE00];
	v31 =	vadd.f32 v37, v62  }
0xfe: {  	v15 =	vmul.f32 v12, v5;
	v12 =	vmul.f32 v27, v30;
	v26 =	vadd.f32 v59, v26;
	v22 =	vld [tilespmem:s24+$0xFFFFFE40]  }
0xff: {  	s29 =	simm.s32 $0x40;
	s26 =	simm.s32 $0x0;
	v8 =	vadd.f32 v58, v57;
	v37 =	vld [tilespmem:s23+$0xFFFFFE10];
	v5 =	vsel vm0, v31, v63;
	v13 =	vmul.f32 v13, v4  }
.LBB2_2:
0x100: {  	_ = 	snop  }
0x101: {  	v4 =	vadd.f32 v21, v32;
	v21 =	vperm.xlane v5, v0;
	v3 =	vmul.f32 v3, v2  }
0x102: {  	v16 =	vadd.f32 v16, v26;
	v27 =	vmul.f32 v34, v39;
	v29 =	vmul.f32 v29, v33  }
0x103: {  	v4 =	vadd.f32 v14, v4;
	v17 =	vmul.f32 v17, v19;
	v19 =	vmul.f32 v38, v40  }
0x104: {  	v14 =	vmul.f32 v22, v28;
	v18 =	vmul.f32 v18, v20;
	v20 =	vadd.f32 v29, v27  }
0x105: {  	v22 =	vmul.f32 v25, v24;
	v24 =	vmul.f32 v35, v37;
	v17 =	vadd.f32 v19, v17  }
0x106: {  	v14 =	vadd.f32 v18, v14;
	v18 =	vperm.xlane v16, v0;
	v15 =	vadd.f32 v15, v20  }
0x107: {  	v19 =	vadd.f32 v24, v22;
	v16 =	vperm.xlane v16, v1;
	v17 =	vadd.f32 v23, v17  }
0x108: {  	v12 =	vadd.f32 v12, v14;
	v14 =	vperm.xlane v4, v0;
	v13 =	vadd.f32 v13, v15  }
0x109: {  	v3 =	vadd.f32 v3, v19;
	v4 =	vperm.xlane v4, v1;
	v10 =	vadd.f32 v10, v17  }
0x10a: {  	v11 =	vadd.f32 v11, v12;
	v12 =	vperm.xlane v13, v0;
	v13 =	vperm.xlane v13, v1  }
0x10b: {  	v3 =	vadd.f32 v9, v3;
	v9 =	vperm.xlane v10, v0;
	v10 =	vperm.xlane v10, v1  }
0x10c: {  	v16 =	vadd.f32 v16, v18;
	v15 =	vperm.xlane v11, v0;
	v11 =	vperm.xlane v11, v1  }
0x10d: {  	v4 =	vadd.f32 v4, v14;
	v17 =	vperm.xlane v3, v0;
	v3 =	vperm.xlane v3, v1  }
0x10e: {  	v5 =	vperm.xlane v5, v1;
	v9 =	vadd.f32 v10, v9;
	v10 =	vadd.f32 v13, v12  }
0x10f: {  	v4 =	vsel vm0, v4, v16;
	v3 =	vadd.f32 v3, v17;
	v11 =	vadd.f32 v11, v15  }
0x110: {  	v9 =	vsel vm0, v9, v10;
	v10 =	vperm.xlane v4, v0;
	v4 =	vperm.xlane v4, v1  }
0x111: {  	v3 =	vsel vm0, v3, v11;
	v11 =	vperm.xlane v9, v0;
	v9 =	vperm.xlane v9, v1  }
0x112: {  	v6 =	vsel vm0, v6, v8;
	v12 =	vperm.xlane v3, v0;
	v3 =	vperm.xlane v3, v1  }
0x113: {  	v8 =	vperm.xlane v7, v0;
	v5 =	vadd.f32 v5, v21;
	v4 =	vadd.f32 v4, v10  }
0x114: {  	v7 =	vperm.xlane v7, v1;
	v3 =	vadd.f32 v3, v12;
	v9 =	vadd.f32 v9, v11  }
0x115: {  	v4 =	vsel vm0, v4, v5;
	v5 =	vperm.xlane v6, v0;
	v6 =	vperm.xlane v6, v1  }
0x116: {  	v3 =	vsel vm0, v3, v9;
	v9 =	vperm.xlane v4, v0;
	v4 =	vperm.xlane v4, v1  }
0x117: {  	v10 =	vperm.xlane v3, v0;
	v3 =	vperm.xlane v3, v1  }
0x118: {  	v7 =	vadd.f32 v7, v8;
	v5 =	vadd.f32 v6, v5  }
0x119: {  	v4 =	vadd.f32 v4, v9;
	v3 =	vadd.f32 v3, v10  }
0x11a: {  	v5 =	vsel vm0, v7, v5  }
0x11b: {  	s30 =	sshra.s32 s26, $0x2;
	v3 =	vsel vm0, v3, v4;
	v4 =	vperm.xlane v5, v0;
	v5 =	vperm.xlane v5, v1  }
0x11c: {  	v7 =	vld [tilespmem:s30+$0x10400];
	v6 =	vperm.xlane v3, v0;
	v3 =	vperm.xlane v3, v1;
	_ =	sdelay $0x1  }
0x11d: {  	v4 =	vadd.f32 v5, v4;
	v5 =	vld [tilespmem:s30+$0x10600];
	v3 =	vadd.f32 v3, v6;
	_ =	sdelay $0x1  }
0x11e: {  	v2 =	vld [tilespmem:$0x1FED0];
	v3 =	vsel vm0, v3, v4  }
0x11f: {  	v3 =	vadd.f32 v3, v7;
	_ =	sdelay $0x1  }
0x120: {  	v3 =	vadd.f32 v3, v5;
	_ =	sdelay $0x1  }
0x121: {  	v3 =	vadd.f32 v3, v2;
	_ =	sdelay $0x1  }
0x122: {  	v3 =	vsub.f32 $0.0e+00, v3;
	_ =	sdelay $0x1  }
0x123: {  	v3 =	vmul.f32 $1.442695020e+00, v3;
	_ =	sdelay $0x1  }
0x124: {  	(erf) = vpow2.f32 v3;
	_ =	sdelay $0x8  }
0x125: {  	v3 =	vpop (erf)  }
0x126: {  	v3 =	vadd.f32 $1.000000000e+00, v3;
	_ =	sdelay $0x1  }
0x127: {  	(erf) = vrcp.f32 v3;
	_ =	sdelay $0x8  }
0x128: {  	v3 =	vpop (erf)  }
0x129: {  	v3 =	vmul.f32 $5.000000000e+00, v3;
	_ =	sdelay $0x1  }
0x12a: {  	s23 =	sadd.s32 $0x400, s23;
	[tilespmem:s30+$0x10810] =	vst v3  }
0x12b: {  	s24 =	sadd.s32 $0x400, s24;
	v23 =	vld [tilespmem:s23+$0x30]  }
0x12c: {  	v43 =	vld [tilespmem:s24+$0x30]  }
0x12d: {  	v38 =	vld [tilespmem:s23+$0x70]  }
0x12e: {  	v26 =	vld [tilespmem:s24+$0x70]  }
0x12f: {  	v27 =	vld [tilespmem:s23+$0xB0]  }
0x130: {  	v30 =	vld [tilespmem:s24+$0xB0]  }
0x131: {  	v28 =	vld [tilespmem:s23+$0xF0]  }
0x132: {  	v32 =	vld [tilespmem:s24+$0xF0]  }
0x133: {  	v37 =	vld [tilespmem:s23+$0x130]  }
0x134: {  	v42 =	vld [tilespmem:s24+$0x130]  }
0x135: {  	v41 =	vld [tilespmem:s23+$0x170]  }
0x136: {  	v44 =	vld [tilespmem:s24+$0x170]  }
0x137: {  	v2 =	vld [tilespmem:s23+$0x1B0]  }
0x138: {  	v45 =	vld [tilespmem:s23+$0x20]  }
0x139: {  	v47 =	vld [tilespmem:s24+$0x20]  }
0x13a: {  	v46 =	vld [tilespmem:s23+$0x60]  }
0x13b: {  	v48 =	vld [tilespmem:s24+$0x60]  }
0x13c: {  	v49 =	vld [tilespmem:s23+$0xA0]  }
0x13d: {  	v50 =	vld [tilespmem:s24+$0xA0]  }
0x13e: {  	v31 =	vld [tilespmem:s23+$0xE0]  }
0x13f: {  	v40 =	vld [tilespmem:s24+$0xE0]  }
0x140: {  	v36 =	vld [tilespmem:s23+$0x120]  }
0x141: {  	v39 =	vld [tilespmem:s24+$0x120]  }
0x142: {  	v20 =	vld [tilespmem:s23+$0x160]  }
0x143: {  	v35 =	vld [tilespmem:s24+$0x160]  }
0x144: {  	v21 =	vld [tilespmem:s23+$0x1A0]  }
0x145: {  	v34 =	vld [tilespmem:s24+$0x1A0]  }
0x146: {  	v29 =	vld [tilespmem:s23+$0x1E0]  }
0x147: {  	v33 =	vld [tilespmem:s24+$0x1E0]  }
0x148: {  	v51 =	vld [tilespmem:s23+$0x0]  }
0x149: {  	v52 =	vld [tilespmem:s24+$0x0]  }
0x14a: {  	v53 =	vld [tilespmem:s23+$0x10]  }
0x14b: {  	v54 =	vld [tilespmem:s24+$0x10]  }
0x14c: {  	v55 =	vld [tilespmem:s23+$0x40]  }
0x14d: {  	v56 =	vld [tilespmem:s24+$0x40]  }
0x14e: {  	v57 =	vld [tilespmem:s23+$0x50]  }
0x14f: {  	v4 =	vld [tilespmem:s24+$0xFFFFFFF0]  }
0x150: {  	v58 =	vld [tilespmem:s24+$0x50]  }
0x151: {  	v59 =	vld [tilespmem:s23+$0x80]  }
0x152: {  	v60 =	vld [tilespmem:s24+$0x80]  }
0x153: {  	v61 =	vld [tilespmem:s23+$0x90]  }
0x154: {  	[tilespmem:$0x1FE00] =	vst v4;
	v4 =	vld [tilespmem:s23+$0xFFFFFFF0]  }
0x155: {  	v62 =	vld [tilespmem:s24+$0x90]  }
0x156: {  	v63 =	vld [tilespmem:s23+$0xC0]  }
0x157: {  	v19 =	vld [tilespmem:s24+$0xC0]  }
0x158: {  	v24 =	vld [tilespmem:s23+$0xD0]  }
0x159: {  	[tilespmem:$0x1FE10] =	vst v4;
	v4 =	vld [tilespmem:s24+$0xFFFFFFB0]  }
0x15a: {  	v25 =	vld [tilespmem:s24+$0xD0]  }
0x15b: {  	v18 =	vld [tilespmem:s23+$0x100]  }
0x15c: {  	v17 =	vld [tilespmem:s24+$0x100]  }
0x15d: {  	v16 =	vld [tilespmem:s23+$0x110]  }
0x15e: {  	[tilespmem:$0x1FE40] =	vst v4;
	v4 =	vld [tilespmem:s23+$0xFFFFFFB0]  }
0x15f: {  	v14 =	vld [tilespmem:s24+$0x110]  }
0x160: {  	v15 =	vld [tilespmem:s23+$0x140]  }
0x161: {  	v13 =	vld [tilespmem:s24+$0x140]  }
0x162: {  	v12 =	vld [tilespmem:s23+$0x150]  }
0x163: {  	[tilespmem:$0x1FE50] =	vst v4;
	v4 =	vld [tilespmem:s24+$0xFFFFFF70]  }
0x164: {  	v9 =	vld [tilespmem:s24+$0x150]  }
0x165: {  	v11 =	vld [tilespmem:s23+$0x180]  }
0x166: {  	v8 =	vld [tilespmem:s24+$0x180]  }
0x167: {  	v6 =	vld [tilespmem:s23+$0x190]  }
0x168: {  	[tilespmem:$0x1FE20] =	vst v4;
	v4 =	vld [tilespmem:s23+$0xFFFFFF70]  }
0x169: {  	v7 =	vld [tilespmem:s23+$0x1C0]  }
0x16a: {  	v3 =	vld [tilespmem:s24+$0x1C0]  }
0x16b: {  	v10 =	vld [tilespmem:s23+$0x1D0]  }
0x16c: {  	v5 =	vld [tilespmem:s24+$0x1D0]  }
0x16d: {  	[tilespmem:$0x1FE30] =	vst v4;
	v4 =	vld [tilespmem:s24+$0xFFFFFF30]  }
0x16e: {  	v22 =	vld [tilespmem:s24+$0xFFFFFE30]  }
0x16f: {  	[tilespmem:$0x1FDC0] =	vst v2;
	v2 =	vld [tilespmem:s24+$0x1B0]  }
0x170: {  	v26 =	vmul.f32 v26, v38;
	v38 =	vld [tilespmem:s24+$0xFFFFFFE0]  }
0x171: {  	v47 =	vmul.f32 v47, v45;
	v45 =	vmul.f32 v44, v41;
	v41 =	vld [tilespmem:s24+$0xFFFFFFA0]  }
0x172: {  	[tilespmem:$0x1FE80] =	vst v4;
	v4 =	vld [tilespmem:s23+$0xFFFFFF30]  }
0x173: {  	v44 =	vld [tilespmem:s23+$0xFFFFFFA0]  }
0x174: {  	v50 =	vmul.f32 v50, v49;
	v49 =	vld [tilespmem:s24+$0xFFFFFF60]  }
0x175: {  	v48 =	vmul.f32 v48, v46;
	v46 =	vld [tilespmem:s23+$0xFFFFFF60]  }
0x176: {  	v27 =	vmul.f32 v30, v27;
	v30 =	vmul.f32 v42, v37;
	v37 =	vld [tilespmem:s24+$0xFFFFFF20]  }
0x177: {  	[tilespmem:$0x1FE90] =	vst v4;
	v4 =	vld [tilespmem:s23+$0xFFFFFEF0]  }
0x178: {  	v42 =	vld [tilespmem:s23+$0xFFFFFF20]  }
0x179: {  	v19 =	vmul.f32 v19, v63;
	v63 =	vmul.f32 v25, v24;
	v25 =	vld [tilespmem:s24+$0xFFFFFEF0]  }
0x17a: {  	v24 =	vld [tilespmem:s24+$0xFFFFFEE0]  }
0x17b: {  	v9 =	vmul.f32 v9, v12;
	v12 =	vld [tilespmem:s23+$0xFFFFFEE0]  }
0x17c: {  	[tilespmem:$0x1FEC0] =	vst v4;
	v4 =	vld [tilespmem:s24+$0xFFFFFEB0]  }
0x17d: {  	v13 =	vmul.f32 v13, v15;
	v15 =	vld [tilespmem:s24+$0xFFFFFEA0]  }
0x17e: {  	v5 =	vmul.f32 v5, v10;
	v10 =	vmul.f32 v40, v31;
	v31 =	vld [tilespmem:s24+$0xFFFFFE60]  }
0x17f: {  	v28 =	vmul.f32 v32, v28;
	[tilespmem:$0x1FDD0] =	vst v2;
	v2 =	vld [tilespmem:s23+$0x1F0]  }
0x180: {  	v32 =	vmul.f32 v52, v51;
	v52 =	vmul.f32 v56, v55;
	v56 =	vld [tilespmem:s23+$0xFFFFFF10]  }
0x181: {  	[tilespmem:$0x1FE60] =	vst v4;
	v4 =	vld [tilespmem:s23+$0xFFFFFEB0]  }
0x182: {  	v51 =	vmul.f32 v54, v53;
	v53 =	vmul.f32 v58, v57;
	v57 =	vld [tilespmem:s24+$0xFFFFFF00]  }
0x183: {  	v58 =	vld [tilespmem:s23+$0xFFFFFF00]  }
0x184: {  	[tilespmem:$0x1FDE0] =	vst v2;
	v2 =	vld [tilespmem:s24+$0x1F0]  }
0x185: {  	v40 =	vld [tilespmem:s23+$0xFFFFFE90]  }
0x186: {  	v3 =	vmul.f32 v3, v7;
	[tilespmem:$0x1FE70] =	vst v4;
	v4 =	vld [tilespmem:s24+$0xFFFFFE70]  }
0x187: {  	v9 =	vadd.f32 v9, v13;
	v13 =	vmul.f32 v39, v36;
	v36 =	vld [tilespmem:s23+$0xFFFFFE60]  }
0x188: {  	v17 =	vmul.f32 v17, v18;
	v14 =	vmul.f32 v14, v16;
	v5 =	vadd.f32 v5, v3;
	v3 =	vld [tilespmem:s24+$0xFFFFFE20]  }
0x189: {  	v60 =	vmul.f32 v60, v59;
	[tilespmem:$0x1FDF0] =	vst v2;
	v2 =	vld [tilespmem:s24+$0x190]  }
0x18a: {  	v62 =	vmul.f32 v62, v61;
	v14 =	vadd.f32 v14, v17;
	v17 =	vmul.f32 v35, v20;
	v20 =	vld [tilespmem:s23+$0xFFFFFFC0]  }
0x18b: {  	v8 =	vmul.f32 v8, v11;
	v11 =	vadd.f32 v53, v52;
	[tilespmem:$0x1FEA0] =	vst v4;
	v4 =	vld [tilespmem:s23+$0xFFFFFE70]  }
0x18c: {  	v7 =	vadd.f32 v62, v60;
	v16 =	vadd.f32 v63, v19;
	v60 =	vld [tilespmem:s23+$0xFFFFFF80]  }
0x18d: {  	v62 =	vld [tilespmem:s23+$0xFFFFFF50];
	v11 =	vadd.f32 v48, v11;
	v13 =	vadd.f32 v13, v14;
	v14 =	vmul.f32 v33, v29  }
0x18e: {  	v63 =	vld [tilespmem:s24+$0xFFFFFF40];
	v7 =	vadd.f32 v50, v7;
	v2 =	vmul.f32 v2, v6;
	v6 =	vadd.f32 v51, v32  }
0x18f: {  	v39 =	vld [tilespmem:s23+$0xFFFFFEC0];
	v10 =	vadd.f32 v10, v16;
	v16 =	vmul.f32 v34, v21;
	v5 =	vadd.f32 v14, v5  }
0x190: {  	v14 =	vld [tilespmem:$0x1FDE0];
	v8 =	vadd.f32 v2, v8;
	v6 =	vadd.f32 v47, v6;
	[tilespmem:$0x1FEB0] =	vst v4;
	v4 =	vmul.f32 v43, v23  }
0x191: {  	v11 =	vadd.f32 v26, v11;
	v7 =	vadd.f32 v27, v7;
	v18 =	vld [tilespmem:$0x1FDF0]  }
0x192: {  	v4 =	vadd.f32 v4, v6;
	v6 =	vadd.f32 v16, v8;
	v8 =	vld [tilespmem:$0x1FDC0]  }
0x193: {  	v10 =	vadd.f32 v28, v10;
	v21 =	vperm.xlane v11, v0;
	v11 =	vperm.xlane v11, v1;
	v16 =	vld [tilespmem:$0x1FDD0]  }
0x194: {  	v9 =	vadd.f32 v17, v9;
	v17 =	vld [tilespmem:s24+$0xFFFFFFD0];
	v27 =	vperm.xlane v7, v0;
	v7 =	vperm.xlane v7, v1  }
0x195: {  	v26 =	vld [tilespmem:s24+$0xFFFFFF90];
	v29 =	vperm.xlane v10, v0;
	v10 =	vperm.xlane v10, v1  }
0x196: {  	v28 =	vld [tilespmem:s23+$0xFFFFFF90];
	v9 =	vadd.f32 v45, v9;
	v19 =	vperm.xlane v4, v0;
	v4 =	vperm.xlane v4, v1  }
0x197: {  	v7 =	vadd.f32 v7, v27;
	v10 =	vadd.f32 v10, v29;
	v14 =	vmul.f32 v18, v14;
	v18 =	vld [tilespmem:s24+$0xFFFFFFC0]  }
0x198: {  	v11 =	vadd.f32 v11, v21;
	v4 =	vadd.f32 v4, v19;
	v8 =	vmul.f32 v16, v8;
	v16 =	vld [tilespmem:s23+$0xFFFFFFD0]  }
0x199: {  	v13 =	vadd.f32 v30, v13;
	v30 =	vld [tilespmem:s24+$0xFFFFFF80];
	v7 =	vsel vm0, v7, v10;
	v5 =	vadd.f32 v14, v5  }
0x19a: {  	v35 =	vld [tilespmem:s24+$0xFFFFFE10];
	v14 =	vperm.xlane v9, v0;
	v9 =	vperm.xlane v9, v1;
	v4 =	vsel vm0, v4, v11  }
0x19b: {  	v33 =	vld [tilespmem:s23+$0xFFFFFED0];
	v6 =	vadd.f32 v8, v6;
	v8 =	vperm.xlane v13, v0;
	v13 =	vperm.xlane v13, v1  }
0x19c: {  	v34 =	vld [tilespmem:s24+$0xFFFFFEC0];
	v9 =	vadd.f32 v9, v14;
	v11 =	vmul.f32 v18, v20;
	v10 =	vperm.xlane v4, v0  }
0x19d: {  	v45 =	vld [tilespmem:s24+$0xFFFFFF50];
	v4 =	vperm.xlane v4, v1;
	v8 =	vadd.f32 v13, v8;
	v14 =	vmul.f32 v17, v16  }
0x19e: {  	v27 =	vld [tilespmem:s23+$0xFFFFFF40];
	v16 =	vmul.f32 v30, v60;
	v17 =	vmul.f32 v26, v28  }
0x19f: {  	v29 =	vld [tilespmem:s24+$0xFFFFFED0];
	v8 =	vsel vm0, v8, v9;
	v9 =	vperm.xlane v7, v0;
	v7 =	vperm.xlane v7, v1  }
0x1a0: {  	v4 =	vadd.f32 v4, v10;
	v10 =	vadd.f32 v14, v11;
	v14 =	vld [tilespmem:$0x1FE00]  }
0x1a1: {  	v7 =	vadd.f32 v7, v9;
	v9 =	vadd.f32 v17, v16;
	v16 =	vld [tilespmem:$0x1FE10]  }
0x1a2: {  	v32 =	vld [tilespmem:s23+$0xFFFFFEA0]  }
0x1a3: {  	v43 =	vld [tilespmem:s23+$0xFFFFFFE0]  }
0x1a4: {  	v2 =	vld [tilespmem:s23+$0xFFFFFE20];
	v19 =	vperm.xlane v5, v0  }
0x1a5: {  	v23 =	vld [tilespmem:s23+$0xFFFFFE30];
	v5 =	vperm.xlane v5, v1;
	v61 =	vperm.xlane v6, v0  }
0x1a6: {  	v6 =	vperm.xlane v6, v1;
	v20 =	vmul.f32 v14, v16;
	v14 =	vld [tilespmem:$0x1FE20]  }
0x1a7: {  	v16 =	vld [tilespmem:$0x1FE30]  }
0x1a8: {  	v5 =	vadd.f32 v5, v19;
	v13 =	vld [tilespmem:s24+$0xFFFFFF10];
	v6 =	vadd.f32 v6, v61;
	v11 =	vmul.f32 v38, v43  }
0x1a9: {  	v17 =	vld [tilespmem:$0x1FE50]  }
0x1aa: {  	v5 =	vsel vm0, v6, v5;
	v6 =	vperm.xlane v8, v0;
	v21 =	vadd.f32 v11, v10;
	v10 =	vld [tilespmem:$0x1FE60]  }
0x1ab: {  	v8 =	vperm.xlane v8, v1;
	v59 =	vperm.xlane v5, v0;
	v11 =	vld [tilespmem:$0x1FE70]  }
0x1ac: {  	v5 =	vperm.xlane v5, v1;
	v16 =	vmul.f32 v14, v16;
	v14 =	vld [tilespmem:$0x1FE40]  }
0x1ad: {  	v19 =	vld [tilespmem:s23+$0xFFFFFE80]  }
0x1ae: {  	v38 =	vld [tilespmem:s24+$0xFFFFFE90];
	v6 =	vadd.f32 v8, v6;
	v8 =	vadd.f32 v5, v59;
	v5 =	vmul.f32 v63, v27  }
0x1af: {  	v27 =	vmul.f32 v45, v62;
	v62 =	vmul.f32 v13, v56;
	v13 =	vld [tilespmem:$0x1FEC0]  }
0x1b0: {  	v18 =	vmul.f32 v41, v44;
	v10 =	vmul.f32 v10, v11;
	v11 =	vld [tilespmem:$0x1FE80]  }
0x1b1: {  	v26 =	vmul.f32 v14, v17;
	v14 =	vld [tilespmem:$0x1FE90]  }
0x1b2: {  	v28 =	vadd.f32 v18, v9;
	v18 =	vld [tilespmem:$0x1FEB0]  }
0x1b3: {  	v9 =	vmul.f32 v22, v23;
	v22 =	vadd.f32 v20, v21;
	v20 =	vld [tilespmem:s23+$0xFFFFFE50]  }
0x1b4: {  	v30 =	vmul.f32 v49, v46;
	v21 =	vmul.f32 v37, v42;
	v37 =	vld [tilespmem:s23+$0xFFFFFE10]  }
0x1b5: {  	v13 =	vmul.f32 v25, v13;
	v25 =	vld [tilespmem:s24+$0xFFFFFE00];
	v60 =	vperm.xlane v22, v1;
	v23 =	vadd.f32 v26, v28  }
0x1b6: {  	p0 =	sne.s32 s29, $0x7C0;
	v26 =	vperm.xlane v22, v0;
	v14 =	vmul.f32 v11, v14;
	v11 =	vld [tilespmem:$0x1FEA0]  }
.Ltmp0:
0x1b7: {  	v5 =	vadd.f32 v27, v5;
	v17 =	vld [tilespmem:s24+$0xFFFFFE80];
	v61 =	vperm.xlane v23, v0;
	v23 =	vperm.xlane v23, v1;
	(pc) =	sbr.rel @p0 .LBB2_2-.Ltmp0, $4  }
0x1b8: {  	v7 =	vsel vm0, v4, v7;
	v4 =	vmul.f32 v57, v58;
	v22 =	vld [tilespmem:s24+$0xFFFFFE40];
	v63 =	vadd.f32 v60, v26  }
0x1b9: {  	v28 =	vld [tilespmem:s23+$0xFFFFFE40];
	v26 =	vadd.f32 v30, v5;
	v27 =	vadd.f32 v23, v61  }
0x1ba: {  	v23 =	vmul.f32 v15, v32;
	v15 =	vmul.f32 v24, v12;
	v32 =	vadd.f32 v62, v4;
	v24 =	vld [tilespmem:s23+$0xFFFFFE00]  }
0x1bb: {  	s26 =	smov.u32 s29;
	s29 =	sadd.s32 $0x40, s29;
	v12 =	vmul.f32 v31, v36;
	v5 =	vsel vm0, v27, v63;
	v11 =	vmul.f32 v11, v18;
	v18 =	vld [tilespmem:s24+$0xFFFFFE50]  }
0x1bc: {  	v2 =	vmul.f32 v3, v2  }
0x1bd: {  	v4 =	vperm.xlane v5, v0;
	v36 =	vmul.f32 v34, v39  }
0x1be: {  	v3 =	vadd.f32 v21, v32;
	v27 =	vmul.f32 v29, v33;
	v17 =	vmul.f32 v17, v19  }
0x1bf: {  	v16 =	vadd.f32 v16, v26;
	v38 =	vmul.f32 v38, v40;
	v42 =	vmul.f32 v35, v37  }
0x1c0: {  	v3 =	vadd.f32 v14, v3;
	v40 =	vadd.f32 v27, v36;
	v41 =	vmul.f32 v25, v24  }
0x1c1: {  	v39 =	vmul.f32 v22, v28;
	v17 =	vadd.f32 v38, v17;
	v18 =	vmul.f32 v18, v20  }
0x1c2: {  	v43 =	vperm.xlane v16, v0;
	v15 =	vadd.f32 v15, v40;
	v44 =	vadd.f32 v42, v41  }
0x1c3: {  	v16 =	vperm.xlane v16, v1;
	v17 =	vadd.f32 v23, v17;
	v14 =	vadd.f32 v18, v39  }
0x1c4: {  	v45 =	vperm.xlane v3, v0;
	v13 =	vadd.f32 v13, v15;
	v2 =	vadd.f32 v2, v44  }
0x1c5: {  	v3 =	vperm.xlane v3, v1;
	v10 =	vadd.f32 v10, v17;
	v12 =	vadd.f32 v12, v14  }
0x1c6: {  	v46 =	vperm.xlane v13, v0;
	v13 =	vperm.xlane v13, v1;
	v2 =	vadd.f32 v9, v2  }
0x1c7: {  	v47 =	vperm.xlane v10, v0;
	v10 =	vperm.xlane v10, v1;
	v11 =	vadd.f32 v11, v12  }
0x1c8: {  	v16 =	vadd.f32 v16, v43;
	v49 =	vperm.xlane v2, v0;
	v2 =	vperm.xlane v2, v1  }
0x1c9: {  	v3 =	vadd.f32 v3, v45;
	v48 =	vperm.xlane v11, v0;
	v11 =	vperm.xlane v11, v1  }
0x1ca: {  	v51 =	vperm.xlane v5, v1;
	v9 =	vadd.f32 v10, v47;
	v50 =	vadd.f32 v13, v46  }
0x1cb: {  	v3 =	vsel vm0, v3, v16;
	v2 =	vadd.f32 v2, v49;
	v11 =	vadd.f32 v11, v48  }
0x1cc: {  	v52 =	vperm.xlane v3, v0;
	v3 =	vperm.xlane v3, v1;
	v9 =	vsel vm0, v9, v50  }
0x1cd: {  	v53 =	vperm.xlane v9, v0;
	v9 =	vperm.xlane v9, v1;
	v2 =	vsel vm0, v2, v11  }
0x1ce: {  	v6 =	vsel vm0, v6, v8;
	v54 =	vperm.xlane v2, v0;
	v2 =	vperm.xlane v2, v1  }
0x1cf: {  	v55 =	vperm.xlane v7, v0;
	v4 =	vadd.f32 v51, v4;
	v3 =	vadd.f32 v3, v52  }
0x1d0: {  	v57 =	vperm.xlane v7, v1;
	v56 =	vadd.f32 v9, v53;
	v2 =	vadd.f32 v2, v54  }
0x1d1: {  	v58 =	vperm.xlane v6, v0;
	v6 =	vperm.xlane v6, v1;
	v3 =	vsel vm0, v3, v4  }
0x1d2: {  	v59 =	vperm.xlane v3, v0;
	v3 =	vperm.xlane v3, v1;
	v2 =	vsel vm0, v2, v56  }
0x1d3: {  	v60 =	vperm.xlane v2, v0;
	v2 =	vperm.xlane v2, v1  }
0x1d4: {  	v5 =	vadd.f32 v57, v55;
	v4 =	vadd.f32 v6, v58  }
0x1d5: {  	v3 =	vadd.f32 v3, v59;
	v2 =	vadd.f32 v2, v60  }
0x1d6: {  	v4 =	vsel vm0, v5, v4  }
0x1d7: {  	s23 =	sshra.s32 s26, $0x2;
	v2 =	vsel vm0, v2, v3;
	v3 =	vperm.xlane v4, v0;
	v4 =	vperm.xlane v4, v1  }
0x1d8: {  	v62 =	vld [tilespmem:s23+$0x10400];
	v61 =	vperm.xlane v2, v0;
	v2 =	vperm.xlane v2, v1;
	_ =	sdelay $0x1  }
0x1d9: {  	v63 =	vld [tilespmem:s23+$0x10600];
	v3 =	vadd.f32 v4, v3;
	v2 =	vadd.f32 v2, v61;
	_ =	sdelay $0x1  }
0x1da: {  	v2 =	vsel vm0, v2, v3;
	v3 =	vld [tilespmem:$0x1FED0]  }
0x1db: {  	v2 =	vadd.f32 v2, v62;
	_ =	sdelay $0x1  }
0x1dc: {  	v2 =	vadd.f32 v2, v63;
	_ =	sdelay $0x1  }
0x1dd: {  	v2 =	vadd.f32 v2, v3;
	_ =	sdelay $0x1  }
0x1de: {  	v2 =	vsub.f32 $0.0e+00, v2;
	_ =	sdelay $0x1  }
0x1df: {  	v2 =	vmul.f32 $1.442695020e+00, v2;
	_ =	sdelay $0x1  }
0x1e0: {  	(erf) = vpow2.f32 v2;
	_ =	sdelay $0x8  }
0x1e1: {  	v2 =	vpop (erf)  }
0x1e2: {  	v2 =	vadd.f32 $1.000000000e+00, v2;
	_ =	sdelay $0x1  }
0x1e3: {  	(erf) = vrcp.f32 v2;
	_ =	sdelay $0x8  }
0x1e4: {  	v2 =	vpop (erf)  }
0x1e5: {  	s22 =	sadd.s32 $0x1, s22;
	v2 =	vmul.f32 $5.000000000e+00, v2  }
0x1e6: {  	p0 =	sne.s32 s22, s11  }
.Ltmp1:
0x1e7: {  	[tilespmem:s23+$0x10810] =	vst v2;
	(pc) =	sbr.rel @p0 .LBB2_1-.Ltmp1, $4  }
0x1e8: {  	[hbm4b:s10+s3] =	stream.linear.scatter [tilespmem:s20], [sflag:$0x2], $0x200, $0x38;
	[tilespmem:$0x10A10] =	vst v63  }
0x1e9: {  	_ =	swait.ge [sflag:s12], $0x200  }
0x1ea: {  	[sflag:s12] =	ssyncset.done $0x0  }
0x1eb: {  	[sflag:s12] =	ssyncadd.s32 $0xFFFFFE00  }
0x1ec: {  	_ =	sfence.sel $0x180000  }
0x1ed: {  	[bflag:$0x0] =	sbarrier.arrive $0xFFFF  }
0x1ee: {  	_ =	strace $0x90000047  }
0x1ef: {  	s0 =	stileid.u32;
	[bflag:$0x2] =	sbarrier.arrive $0xFFFF  }
0x1f0: {  	p0 =	sne.s32 s0, $0x0;
	s0 =	rddreg [dreg:$0x6]  }
0x1f1: {  	s0 =	sadd.s32 @!p0 $0x100000, s0  }
0x1f2: {  	[sflag:s0] =	ssyncadd.tile.s32 @!p0 $0x1;
	_ =	shalt  }
.Lfunc_end2:
_tile_overlayer_lowered:
.L_overlay_start_2:
0x1f3: {  	(tag) =	ssettag $0x2  }
0x1f4: {  	s0 =	rddreg [dreg:$0x0];
	s2 =	stileid.u32  }
0x1f5: {  	s1 =	rddreg [dreg:$0x1];
	p0 =	sne.s32 s2, $0x0  }
0x1f6: {  	s3 =	rddreg [dreg:$0x2];
	[bflag:$0x3] =	sbarrier.arrive $0xFFFF;
	s2 =	simm.s32 @!p0 $0x1C02  }
0x1f7: {  	[timem:s3], [sflag:s2] =	dma.local @!p0 [hbm:s0], s1  }
0x1f8: {  	s0 =	simm.s32 @!p0 $0x2  }
0x1f9: {  	_ =	swait.ge @!p0 [sflag:s0], s1  }
0x1fa: {  	s1 =	ssub.s32 @!p0 $0x0, s1;
	[sflag:s0] =	ssyncset.done @!p0 $0x0  }
0x1fb: {  	[sflag:s0] =	ssyncadd.s32 @!p0 s1  }
0x1fc: {  	[bflag:$0x3] =	sbarrier.arrive $0xFFFF  }
0x1fd: {  	_ =	shalt  }

</sc_bundles>
